<compile_context>
chip_gen: v7x
topology: tpu7x:2x2x1
jax: 0.10.2.dev20260603
libtpu: 0.0.44.dev20260713+nightly
codegen_flags: <defaults>
</compile_context>

<pallas_src>
import jax
import jax.numpy as jnp
from jax import lax
from jax.experimental import pallas as pl
from jax.experimental.pallas import tpu as pltpu, tpu_sc as plsc

BATCH = 16384
DIM = 32
BLK = 128
_INFO = plsc.get_sparse_core_info()
_NC, _NS, _L = _INFO.num_cores, _INFO.num_subcores, _INFO.num_lanes
_NW = _NC * _NS
_BPW = BATCH // _NW
_NRING = 4


def _mf_body(uidx_hbm, iidx_hbm, ut_hbm, it_hbm, out_hbm,
             uidx_v, iidx_v, out_v,
             ub0, ub1, ub2, ub3, ib0, ib1, ib2, ib3,
             su0, su1, su2, su3, si0, si1, si2, si3):
    ubufs = (ub0, ub1, ub2, ub3)
    ibufs = (ib0, ib1, ib2, ib3)
    usems = (su0, su1, su2, su3)
    isems = (si0, si1, si2, si3)

    wid = lax.axis_index("s") * _NC + lax.axis_index("c")
    base = wid * _BPW

    pltpu.sync_copy(uidx_hbm.at[pl.ds(base, _BPW)], uidx_v)
    pltpu.sync_copy(iidx_hbm.at[pl.ds(base, _BPW)], iidx_v)

    lanes = lax.iota(jnp.int32, _L)

    def fire(uvec, ivec, k, slot):
        ju = pl.multiple_of((uvec[k] >> 7) << 7, BLK)
        ji = pl.multiple_of((ivec[k] >> 7) << 7, BLK)
        pltpu.async_copy(ut_hbm.at[:, pl.ds(ju, BLK)], ubufs[slot],
                         usems[slot])
        pltpu.async_copy(it_hbm.at[:, pl.ds(ji, BLK)], ibufs[slot],
                         isems[slot])

    def chunk(c, carry):
        col0 = c * _L
        uvec = uidx_v[pl.ds(col0, _L)]
        ivec = iidx_v[pl.ds(col0, _L)]
        for k in range(_NRING):
            fire(uvec, ivec, k, k)
        acc = jnp.zeros((_L,), jnp.float32)
        for k in range(_L):
            slot = k % _NRING
            pltpu.make_async_copy(ut_hbm.at[:, pl.ds(0, BLK)], ubufs[slot],
                                  usems[slot]).wait()
            pltpu.make_async_copy(it_hbm.at[:, pl.ds(0, BLK)], ibufs[slot],
                                  isems[slot]).wait()
            cu = jnp.full((_L,), uvec[k] & (BLK - 1), jnp.int32)
            ci = jnp.full((_L,), ivec[k] & (BLK - 1), jnp.int32)
            ulo = plsc.load_gather(ubufs[slot], [lanes, cu])
            uhi = plsc.load_gather(ubufs[slot], [lanes + _L, cu])
            ilo = plsc.load_gather(ibufs[slot], [lanes, ci])
            ihi = plsc.load_gather(ibufs[slot], [lanes + _L, ci])
            s = jnp.sum(ulo * ilo + uhi * ihi)
            acc = jnp.where(lanes == k, s, acc)
            if k + _NRING < _L:
                fire(uvec, ivec, k + _NRING, slot)
        out_v[pl.ds(col0, _L)] = acc
        return carry

    lax.fori_loop(0, _BPW // _L, chunk, 0)
    pltpu.sync_copy(out_v, out_hbm.at[pl.ds(base, _BPW)])


def kernel(x, user_table, item_table):
    user_idx = x[:, 0].astype(jnp.int32)
    item_idx = x[:, 1].astype(jnp.int32)
    mesh = plsc.VectorSubcoreMesh(core_axis_name="c", subcore_axis_name="s")
    run = pl.kernel(
        _mf_body,
        mesh=mesh,
        compiler_params=pltpu.CompilerParams(needs_layout_passes=False),
        out_type=jax.ShapeDtypeStruct((BATCH,), jnp.float32),
        scratch_types=(
            [pltpu.VMEM((_BPW,), jnp.int32)] * 2
            + [pltpu.VMEM((_BPW,), jnp.float32)]
            + [pltpu.VMEM((DIM, BLK), jnp.float32)] * 8
            + [pltpu.SemaphoreType.DMA] * 8
        ),
    )
    return run(user_idx, item_idx, user_table.T, item_table.T)

# --- scband reference (transcript-rebuilt; emitter-appended) ---
"""Pipeline reference for scband-mf-61564061220889 (READ-ONLY COPY).

The authoritative reference and input builder live on the scoring server;
editing this copy changes nothing except your own understanding.
"""

import jax, jax.numpy as jnp
import numpy as np

NUM_USERS = 1000000
NUM_ITEMS = 1000000
LATENT_DIM = 32
BATCH = 16384


def setup_inputs(seed: int = 0) -> dict:
    key = jax.random.key(seed)
    k1, k2, k3 = jax.random.split(key, 3)
    x = jax.random.randint(k1, (BATCH, 2), 0, NUM_USERS, dtype=jnp.int64) if jax.config.jax_enable_x64 else jax.random.randint(k1, (BATCH, 2), 0, NUM_USERS, dtype=jnp.int32)
    user_table = jax.random.normal(k2, (NUM_USERS, LATENT_DIM), dtype=jnp.float32)
    item_table = jax.random.normal(k3, (NUM_ITEMS, LATENT_DIM), dtype=jnp.float32)
    return {"x": x, "user_table": user_table, "item_table": item_table}


def reference(x, user_table, item_table):
    user_idx = x[:, 0]
    item_idx = x[:, 1]
    user = jnp.take(user_table, user_idx, axis=0)
    item = jnp.take(item_table, item_idx, axis=0)
    out = jnp.sum(user * item, axis=1)
    return out

if __name__ == "__main__":
    import jax
    _d = setup_inputs()
    print(jax.jit(kernel)(*tuple(_d.values())))

</pallas_src>

<mosaic_0001>
#map = affine_map<(d0, d1) -> (0)>
#map1 = affine_map<(d0, d1) -> (0, 0)>
module attributes {stable_mosaic.version = 14 : i64} {
  func.func @_mf_body(%arg0: i32, %arg1: i32, %arg2: memref<16384xi32, #tpu.memory_space<hbm>>, %arg3: memref<16384xi32, #tpu.memory_space<hbm>>, %arg4: memref<32x1000000xf32, #tpu.memory_space<hbm>>, %arg5: memref<32x1000000xf32, #tpu.memory_space<hbm>>, %arg6: memref<16384xf32, #tpu.memory_space<hbm>>, %arg7: memref<512xi32, #tpu.memory_space<vmem>>, %arg8: memref<512xi32, #tpu.memory_space<vmem>>, %arg9: memref<512xf32, #tpu.memory_space<vmem>>, %arg10: memref<32x128xf32, #tpu.memory_space<vmem>>, %arg11: memref<32x128xf32, #tpu.memory_space<vmem>>, %arg12: memref<32x128xf32, #tpu.memory_space<vmem>>, %arg13: memref<32x128xf32, #tpu.memory_space<vmem>>, %arg14: memref<32x128xf32, #tpu.memory_space<vmem>>, %arg15: memref<32x128xf32, #tpu.memory_space<vmem>>, %arg16: memref<32x128xf32, #tpu.memory_space<vmem>>, %arg17: memref<32x128xf32, #tpu.memory_space<vmem>>, %arg18: memref<!tpu.dma_semaphore, #tpu.memory_space<semaphore_mem>>, %arg19: memref<!tpu.dma_semaphore, #tpu.memory_space<semaphore_mem>>, %arg20: memref<!tpu.dma_semaphore, #tpu.memory_space<semaphore_mem>>, %arg21: memref<!tpu.dma_semaphore, #tpu.memory_space<semaphore_mem>>, %arg22: memref<!tpu.dma_semaphore, #tpu.memory_space<semaphore_mem>>, %arg23: memref<!tpu.dma_semaphore, #tpu.memory_space<semaphore_mem>>, %arg24: memref<!tpu.dma_semaphore, #tpu.memory_space<semaphore_mem>>, %arg25: memref<!tpu.dma_semaphore, #tpu.memory_space<semaphore_mem>>) attributes {dimension_semantics = [#tpu.dimension_semantics<core_parallel>, #tpu.dimension_semantics<subcore_parallel>], iteration_bounds = array<i64: 2, 16>, scalar_prefetch = 0 : i64, scratch_operands = 19 : i64, tpu.core_type = #tpu.core_type<sc_vector_subcore>, window_params = [{transform_indices = #map}, {transform_indices = #map}, {transform_indices = #map1}, {transform_indices = #map1}, {transform_indices = #map}]} {
    %mul3A = arith.constant 2 : i32
    %mul3A_0 = arith.muli %arg1, %mul3A : i32
    %add3A = arith.addi %mul3A_0, %arg0 : i32
    %mul3A_1 = arith.constant 512 : i32
    %mul3A_2 = arith.muli %add3A, %mul3A_1 : i32
    "tpu.region"() ({
      %run_scoped3A = tpu.sem_alloc : memref<!tpu.dma_semaphore, #tpu.memory_space<semaphore_mem>>
      %dma_start3A = tpu.memref_slice %arg2[%mul3A_2] : memref<16384xi32, #tpu.memory_space<hbm>> -> memref<512xi32, #tpu.memory_space<hbm>>
      %dma_start3A_8 = tpu.memref_slice %arg2[%mul3A_2] : memref<16384xi32, #tpu.memory_space<hbm>> -> memref<512xi32, #tpu.memory_space<hbm>>
      tpu.enqueue_dma source(%dma_start3A_8 : memref<512xi32, #tpu.memory_space<hbm>>) target(%arg7 : memref<512xi32, #tpu.memory_space<vmem>>) target_semaphore(%run_scoped3A : memref<!tpu.dma_semaphore, #tpu.memory_space<semaphore_mem>>)
      %dma_wait3A = tpu.memref_slice %arg2[%mul3A_2] : memref<16384xi32, #tpu.memory_space<hbm>> -> memref<512xi32, #tpu.memory_space<hbm>>
      %dma_wait3A_9 = tpu.memref_slice %arg2[%mul3A_2] : memref<16384xi32, #tpu.memory_space<hbm>> -> memref<512xi32, #tpu.memory_space<hbm>>
      tpu.wait_dma2 semaphore(%run_scoped3A : memref<!tpu.dma_semaphore, #tpu.memory_space<semaphore_mem>>) src(%dma_wait3A_9 : memref<512xi32, #tpu.memory_space<hbm>>) dst(%arg7 : memref<512xi32, #tpu.memory_space<vmem>>)
      tpu.yield
    }) : () -> ()
    "tpu.region"() ({
      %run_scoped3A = tpu.sem_alloc : memref<!tpu.dma_semaphore, #tpu.memory_space<semaphore_mem>>
      %dma_start3A = tpu.memref_slice %arg3[%mul3A_2] : memref<16384xi32, #tpu.memory_space<hbm>> -> memref<512xi32, #tpu.memory_space<hbm>>
      %dma_start3A_8 = tpu.memref_slice %arg3[%mul3A_2] : memref<16384xi32, #tpu.memory_space<hbm>> -> memref<512xi32, #tpu.memory_space<hbm>>
      tpu.enqueue_dma source(%dma_start3A_8 : memref<512xi32, #tpu.memory_space<hbm>>) target(%arg8 : memref<512xi32, #tpu.memory_space<vmem>>) target_semaphore(%run_scoped3A : memref<!tpu.dma_semaphore, #tpu.memory_space<semaphore_mem>>)
      %dma_wait3A = tpu.memref_slice %arg3[%mul3A_2] : memref<16384xi32, #tpu.memory_space<hbm>> -> memref<512xi32, #tpu.memory_space<hbm>>
      %dma_wait3A_9 = tpu.memref_slice %arg3[%mul3A_2] : memref<16384xi32, #tpu.memory_space<hbm>> -> memref<512xi32, #tpu.memory_space<hbm>>
      tpu.wait_dma2 semaphore(%run_scoped3A : memref<!tpu.dma_semaphore, #tpu.memory_space<semaphore_mem>>) src(%dma_wait3A_9 : memref<512xi32, #tpu.memory_space<hbm>>) dst(%arg8 : memref<512xi32, #tpu.memory_space<vmem>>)
      tpu.yield
    }) : () -> ()
    %iota3A = tpu.iota {dimensions = array<i32: 0>} : vector<16xi32>
    %scan3A = arith.constant 0 : i32
    %scan3A_3 = arith.constant 0 : i32
    %scan3A_4 = arith.constant 32 : i32
    %scan3A_5 = arith.addi %scan3A_3, %scan3A_4 : i32
    %scan3A_6 = arith.constant 1 : i32
    scf.for %scan3A_8 = %scan3A_3 to %scan3A_5 step %scan3A_6  : i32 {
      %mul3A_9 = arith.constant 16 : i32
      %mul3A_10 = arith.muli %scan3A_8, %mul3A_9 : i32
      %get3A = arith.index_cast %mul3A_10 : i32 to index
      %get3A_11 = tpu.vector_load %arg7[%get3A] {strides = array<i32>} : memref<512xi32, #tpu.memory_space<vmem>>, vector<16xi32>,
      %get3A_12 = arith.index_cast %mul3A_10 : i32 to index
      %get3A_13 = tpu.vector_load %arg8[%get3A_12] {strides = array<i32>} : memref<512xi32, #tpu.memory_space<vmem>>, vector<16xi32>,
      %slice3A = vector.extract_strided_slice %get3A_11 {offsets = [0], sizes = [1], strides = [1]} : vector<16xi32> to vector<1xi32>
      %squeeze3A = vector.extract %slice3A[0] : i32 from vector<1xi32>
      %shift_right_arithmetic3A = arith.constant 7 : i32
      %shift_right_arithmetic3A_14 = arith.shrsi %squeeze3A, %shift_right_arithmetic3A : i32
      %shift_left3A = arith.constant 7 : i32
      %shift_left3A_15 = arith.shli %shift_right_arithmetic3A_14, %shift_left3A : i32
      %multiple_of3A = tpu.assume_multiple %shift_left3A_15, 128 : i32
      %slice3A_16 = vector.extract_strided_slice %get3A_13 {offsets = [0], sizes = [1], strides = [1]} : vector<16xi32> to vector<1xi32>
      %squeeze3A_17 = vector.extract %slice3A_16[0] : i32 from vector<1xi32>
      %shift_right_arithmetic3A_18 = arith.constant 7 : i32
      %shift_right_arithmetic3A_19 = arith.shrsi %squeeze3A_17, %shift_right_arithmetic3A_18 : i32
      %shift_left3A_20 = arith.constant 7 : i32
      %shift_left3A_21 = arith.shli %shift_right_arithmetic3A_19, %shift_left3A_20 : i32
      %multiple_of3A_22 = tpu.assume_multiple %shift_left3A_21, 128 : i32
      %dma_start3A = arith.constant 0 : i32
      %dma_start3A_23 = tpu.memref_slice %arg4[%dma_start3A, %multiple_of3A] : memref<32x1000000xf32, #tpu.memory_space<hbm>> -> memref<32x128xf32, #tpu.memory_space<hbm>>
      %dma_start3A_24 = arith.constant 0 : i32
      %dma_start3A_25 = tpu.memref_slice %arg4[%dma_start3A_24, %multiple_of3A] : memref<32x1000000xf32, #tpu.memory_space<hbm>> -> memref<32x128xf32, #tpu.memory_space<hbm>>
      tpu.enqueue_dma source(%dma_start3A_25 : memref<32x128xf32, #tpu.memory_space<hbm>>) target(%arg10 : memref<32x128xf32, #tpu.memory_space<vmem>>) target_semaphore(%arg18 : memref<!tpu.dma_semaphore, #tpu.memory_space<semaphore_mem>>)
      %dma_start3A_26 = arith.constant 0 : i32
      %dma_start3A_27 = tpu.memref_slice %arg5[%dma_start3A_26, %multiple_of3A_22] : memref<32x1000000xf32, #tpu.memory_space<hbm>> -> memref<32x128xf32, #tpu.memory_space<hbm>>
      %dma_start3A_28 = arith.constant 0 : i32
      %dma_start3A_29 = tpu.memref_slice %arg5[%dma_start3A_28, %multiple_of3A_22] : memref<32x1000000xf32, #tpu.memory_space<hbm>> -> memref<32x128xf32, #tpu.memory_space<hbm>>
      tpu.enqueue_dma source(%dma_start3A_29 : memref<32x128xf32, #tpu.memory_space<hbm>>) target(%arg14 : memref<32x128xf32, #tpu.memory_space<vmem>>) target_semaphore(%arg22 : memref<!tpu.dma_semaphore, #tpu.memory_space<semaphore_mem>>)
      %slice3A_30 = vector.extract_strided_slice %get3A_11 {offsets = [1], sizes = [1], strides = [1]} : vector<16xi32> to vector<1xi32>
      %squeeze3A_31 = vector.extract %slice3A_30[0] : i32 from vector<1xi32>
      %shift_right_arithmetic3A_32 = arith.constant 7 : i32
      %shift_right_arithmetic3A_33 = arith.shrsi %squeeze3A_31, %shift_right_arithmetic3A_32 : i32
      %shift_left3A_34 = arith.constant 7 : i32
      %shift_left3A_35 = arith.shli %shift_right_arithmetic3A_33, %shift_left3A_34 : i32
      %multiple_of3A_36 = tpu.assume_multiple %shift_left3A_35, 128 : i32
      %slice3A_37 = vector.extract_strided_slice %get3A_13 {offsets = [1], sizes = [1], strides = [1]} : vector<16xi32> to vector<1xi32>
      %squeeze3A_38 = vector.extract %slice3A_37[0] : i32 from vector<1xi32>
      %shift_right_arithmetic3A_39 = arith.constant 7 : i32
      %shift_right_arithmetic3A_40 = arith.shrsi %squeeze3A_38, %shift_right_arithmetic3A_39 : i32
      %shift_left3A_41 = arith.constant 7 : i32
      %shift_left3A_42 = arith.shli %shift_right_arithmetic3A_40, %shift_left3A_41 : i32
      %multiple_of3A_43 = tpu.assume_multiple %shift_left3A_42, 128 : i32
      %dma_start3A_44 = arith.constant 0 : i32
      %dma_start3A_45 = tpu.memref_slice %arg4[%dma_start3A_44, %multiple_of3A_36] : memref<32x1000000xf32, #tpu.memory_space<hbm>> -> memref<32x128xf32, #tpu.memory_space<hbm>>
      %dma_start3A_46 = arith.constant 0 : i32
      %dma_start3A_47 = tpu.memref_slice %arg4[%dma_start3A_46, %multiple_of3A_36] : memref<32x1000000xf32, #tpu.memory_space<hbm>> -> memref<32x128xf32, #tpu.memory_space<hbm>>
      tpu.enqueue_dma source(%dma_start3A_47 : memref<32x128xf32, #tpu.memory_space<hbm>>) target(%arg11 : memref<32x128xf32, #tpu.memory_space<vmem>>) target_semaphore(%arg19 : memref<!tpu.dma_semaphore, #tpu.memory_space<semaphore_mem>>)
      %dma_start3A_48 = arith.constant 0 : i32
      %dma_start3A_49 = tpu.memref_slice %arg5[%dma_start3A_48, %multiple_of3A_43] : memref<32x1000000xf32, #tpu.memory_space<hbm>> -> memref<32x128xf32, #tpu.memory_space<hbm>>
      %dma_start3A_50 = arith.constant 0 : i32
      %dma_start3A_51 = tpu.memref_slice %arg5[%dma_start3A_50, %multiple_of3A_43] : memref<32x1000000xf32, #tpu.memory_space<hbm>> -> memref<32x128xf32, #tpu.memory_space<hbm>>
      tpu.enqueue_dma source(%dma_start3A_51 : memref<32x128xf32, #tpu.memory_space<hbm>>) target(%arg15 : memref<32x128xf32, #tpu.memory_space<vmem>>) target_semaphore(%arg23 : memref<!tpu.dma_semaphore, #tpu.memory_space<semaphore_mem>>)
      %slice3A_52 = vector.extract_strided_slice %get3A_11 {offsets = [2], sizes = [1], strides = [1]} : vector<16xi32> to vector<1xi32>
      %squeeze3A_53 = vector.extract %slice3A_52[0] : i32 from vector<1xi32>
      %shift_right_arithmetic3A_54 = arith.constant 7 : i32
      %shift_right_arithmetic3A_55 = arith.shrsi %squeeze3A_53, %shift_right_arithmetic3A_54 : i32
      %shift_left3A_56 = arith.constant 7 : i32
      %shift_left3A_57 = arith.shli %shift_right_arithmetic3A_55, %shift_left3A_56 : i32
      %multiple_of3A_58 = tpu.assume_multiple %shift_left3A_57, 128 : i32
      %slice3A_59 = vector.extract_strided_slice %get3A_13 {offsets = [2], sizes = [1], strides = [1]} : vector<16xi32> to vector<1xi32>
      %squeeze3A_60 = vector.extract %slice3A_59[0] : i32 from vector<1xi32>
      %shift_right_arithmetic3A_61 = arith.constant 7 : i32
      %shift_right_arithmetic3A_62 = arith.shrsi %squeeze3A_60, %shift_right_arithmetic3A_61 : i32
      %shift_left3A_63 = arith.constant 7 : i32
      %shift_left3A_64 = arith.shli %shift_right_arithmetic3A_62, %shift_left3A_63 : i32
      %multiple_of3A_65 = tpu.assume_multiple %shift_left3A_64, 128 : i32
      %dma_start3A_66 = arith.constant 0 : i32
      %dma_start3A_67 = tpu.memref_slice %arg4[%dma_start3A_66, %multiple_of3A_58] : memref<32x1000000xf32, #tpu.memory_space<hbm>> -> memref<32x128xf32, #tpu.memory_space<hbm>>
      %dma_start3A_68 = arith.constant 0 : i32
      %dma_start3A_69 = tpu.memref_slice %arg4[%dma_start3A_68, %multiple_of3A_58] : memref<32x1000000xf32, #tpu.memory_space<hbm>> -> memref<32x128xf32, #tpu.memory_space<hbm>>
      tpu.enqueue_dma source(%dma_start3A_69 : memref<32x128xf32, #tpu.memory_space<hbm>>) target(%arg12 : memref<32x128xf32, #tpu.memory_space<vmem>>) target_semaphore(%arg20 : memref<!tpu.dma_semaphore, #tpu.memory_space<semaphore_mem>>)
      %dma_start3A_70 = arith.constant 0 : i32
      %dma_start3A_71 = tpu.memref_slice %arg5[%dma_start3A_70, %multiple_of3A_65] : memref<32x1000000xf32, #tpu.memory_space<hbm>> -> memref<32x128xf32, #tpu.memory_space<hbm>>
      %dma_start3A_72 = arith.constant 0 : i32
      %dma_start3A_73 = tpu.memref_slice %arg5[%dma_start3A_72, %multiple_of3A_65] : memref<32x1000000xf32, #tpu.memory_space<hbm>> -> memref<32x128xf32, #tpu.memory_space<hbm>>
      tpu.enqueue_dma source(%dma_start3A_73 : memref<32x128xf32, #tpu.memory_space<hbm>>) target(%arg16 : memref<32x128xf32, #tpu.memory_space<vmem>>) target_semaphore(%arg24 : memref<!tpu.dma_semaphore, #tpu.memory_space<semaphore_mem>>)
      %slice3A_74 = vector.extract_strided_slice %get3A_11 {offsets = [3], sizes = [1], strides = [1]} : vector<16xi32> to vector<1xi32>
      %squeeze3A_75 = vector.extract %slice3A_74[0] : i32 from vector<1xi32>
      %shift_right_arithmetic3A_76 = arith.constant 7 : i32
      %shift_right_arithmetic3A_77 = arith.shrsi %squeeze3A_75, %shift_right_arithmetic3A_76 : i32
      %shift_left3A_78 = arith.constant 7 : i32
      %shift_left3A_79 = arith.shli %shift_right_arithmetic3A_77, %shift_left3A_78 : i32
      %multiple_of3A_80 = tpu.assume_multiple %shift_left3A_79, 128 : i32
      %slice3A_81 = vector.extract_strided_slice %get3A_13 {offsets = [3], sizes = [1], strides = [1]} : vector<16xi32> to vector<1xi32>
      %squeeze3A_82 = vector.extract %slice3A_81[0] : i32 from vector<1xi32>
      %shift_right_arithmetic3A_83 = arith.constant 7 : i32
      %shift_right_arithmetic3A_84 = arith.shrsi %squeeze3A_82, %shift_right_arithmetic3A_83 : i32
      %shift_left3A_85 = arith.constant 7 : i32
      %shift_left3A_86 = arith.shli %shift_right_arithmetic3A_84, %shift_left3A_85 : i32
      %multiple_of3A_87 = tpu.assume_multiple %shift_left3A_86, 128 : i32
      %dma_start3A_88 = arith.constant 0 : i32
      %dma_start3A_89 = tpu.memref_slice %arg4[%dma_start3A_88, %multiple_of3A_80] : memref<32x1000000xf32, #tpu.memory_space<hbm>> -> memref<32x128xf32, #tpu.memory_space<hbm>>
      %dma_start3A_90 = arith.constant 0 : i32
      %dma_start3A_91 = tpu.memref_slice %arg4[%dma_start3A_90, %multiple_of3A_80] : memref<32x1000000xf32, #tpu.memory_space<hbm>> -> memref<32x128xf32, #tpu.memory_space<hbm>>
      tpu.enqueue_dma source(%dma_start3A_91 : memref<32x128xf32, #tpu.memory_space<hbm>>) target(%arg13 : memref<32x128xf32, #tpu.memory_space<vmem>>) target_semaphore(%arg21 : memref<!tpu.dma_semaphore, #tpu.memory_space<semaphore_mem>>)
      %dma_start3A_92 = arith.constant 0 : i32
      %dma_start3A_93 = tpu.memref_slice %arg5[%dma_start3A_92, %multiple_of3A_87] : memref<32x1000000xf32, #tpu.memory_space<hbm>> -> memref<32x128xf32, #tpu.memory_space<hbm>>
      %dma_start3A_94 = arith.constant 0 : i32
      %dma_start3A_95 = tpu.memref_slice %arg5[%dma_start3A_94, %multiple_of3A_87] : memref<32x1000000xf32, #tpu.memory_space<hbm>> -> memref<32x128xf32, #tpu.memory_space<hbm>>
      tpu.enqueue_dma source(%dma_start3A_95 : memref<32x128xf32, #tpu.memory_space<hbm>>) target(%arg17 : memref<32x128xf32, #tpu.memory_space<vmem>>) target_semaphore(%arg25 : memref<!tpu.dma_semaphore, #tpu.memory_space<semaphore_mem>>)
      %broadcast_in_dim3A = arith.constant 0.000000e+00 : f32
      %broadcast_in_dim3A_96 = vector.broadcast %broadcast_in_dim3A : f32 to vector<16xf32>
      %dma_wait3A = arith.constant 0 : i32
      %dma_wait3A_97 = arith.constant 0 : i32
      %dma_wait3A_98 = tpu.memref_slice %arg4[%dma_wait3A, %dma_wait3A_97] : memref<32x1000000xf32, #tpu.memory_space<hbm>> -> memref<32x128xf32, #tpu.memory_space<hbm>>
      %dma_wait3A_99 = arith.constant 0 : i32
      %dma_wait3A_100 = arith.constant 0 : i32
      %dma_wait3A_101 = tpu.memref_slice %arg4[%dma_wait3A_99, %dma_wait3A_100] : memref<32x1000000xf32, #tpu.memory_space<hbm>> -> memref<32x128xf32, #tpu.memory_space<hbm>>
      tpu.wait_dma2 semaphore(%arg18 : memref<!tpu.dma_semaphore, #tpu.memory_space<semaphore_mem>>) src(%dma_wait3A_101 : memref<32x128xf32, #tpu.memory_space<hbm>>) dst(%arg10 : memref<32x128xf32, #tpu.memory_space<vmem>>)
      %dma_wait3A_102 = arith.constant 0 : i32
      %dma_wait3A_103 = arith.constant 0 : i32
      %dma_wait3A_104 = tpu.memref_slice %arg5[%dma_wait3A_102, %dma_wait3A_103] : memref<32x1000000xf32, #tpu.memory_space<hbm>> -> memref<32x128xf32, #tpu.memory_space<hbm>>
      %dma_wait3A_105 = arith.constant 0 : i32
      %dma_wait3A_106 = arith.constant 0 : i32
      %dma_wait3A_107 = tpu.memref_slice %arg5[%dma_wait3A_105, %dma_wait3A_106] : memref<32x1000000xf32, #tpu.memory_space<hbm>> -> memref<32x128xf32, #tpu.memory_space<hbm>>
      tpu.wait_dma2 semaphore(%arg22 : memref<!tpu.dma_semaphore, #tpu.memory_space<semaphore_mem>>) src(%dma_wait3A_107 : memref<32x128xf32, #tpu.memory_space<hbm>>) dst(%arg14 : memref<32x128xf32, #tpu.memory_space<vmem>>)
      %slice3A_108 = vector.extract_strided_slice %get3A_11 {offsets = [0], sizes = [1], strides = [1]} : vector<16xi32> to vector<1xi32>
      %squeeze3A_109 = vector.extract %slice3A_108[0] : i32 from vector<1xi32>
      %and3A = arith.constant 127 : i32
      %and3A_110 = arith.andi %squeeze3A_109, %and3A : i32
      %broadcast_in_dim3A_111 = vector.broadcast %and3A_110 : i32 to vector<16xi32>
      %slice3A_112 = vector.extract_strided_slice %get3A_13 {offsets = [0], sizes = [1], strides = [1]} : vector<16xi32> to vector<1xi32>
      %squeeze3A_113 = vector.extract %slice3A_112[0] : i32 from vector<1xi32>
      %and3A_114 = arith.constant 127 : i32
      %and3A_115 = arith.andi %squeeze3A_113, %and3A_114 : i32
      %broadcast_in_dim3A_116 = vector.broadcast %and3A_115 : i32 to vector<16xi32>
      %gather3A = tpu.vector_load_idx %arg10[%iota3A, %broadcast_in_dim3A_111] : memref<32x128xf32, #tpu.memory_space<vmem>>[vector<16xi32>, vector<16xi32>], vector<16xf32>,
      %add3A_117 = arith.constant 16 : i32
      %add3A_118 = vector.broadcast %add3A_117 : i32 to vector<16xi32>
      %add3A_119 = arith.addi %iota3A, %add3A_118 : vector<16xi32>
      %gather3A_120 = tpu.vector_load_idx %arg10[%add3A_119, %broadcast_in_dim3A_111] : memref<32x128xf32, #tpu.memory_space<vmem>>[vector<16xi32>, vector<16xi32>], vector<16xf32>,
      %gather3A_121 = tpu.vector_load_idx %arg14[%iota3A, %broadcast_in_dim3A_116] : memref<32x128xf32, #tpu.memory_space<vmem>>[vector<16xi32>, vector<16xi32>], vector<16xf32>,
      %add3A_122 = arith.constant 16 : i32
      %add3A_123 = vector.broadcast %add3A_122 : i32 to vector<16xi32>
      %add3A_124 = arith.addi %iota3A, %add3A_123 : vector<16xi32>
      %gather3A_125 = tpu.vector_load_idx %arg14[%add3A_124, %broadcast_in_dim3A_116] : memref<32x128xf32, #tpu.memory_space<vmem>>[vector<16xi32>, vector<16xi32>], vector<16xf32>,
      %mul3A_126 = arith.mulf %gather3A, %gather3A_121 : vector<16xf32>
      %mul3A_127 = arith.mulf %gather3A_120, %gather3A_125 : vector<16xf32>
      %add3A_128 = arith.addf %mul3A_126, %mul3A_127 : vector<16xf32>
      %reduce_sum3A = arith.constant true
      %reduce_sum3A_129 = vector.broadcast %reduce_sum3A : i1 to vector<16xi1>
      %reduce_sum3A_130 = tpu.scan <sum>, %add3A_128 masked %reduce_sum3A_129 : vector<16xf32>, vector<16xi1> -> vector<16xf32>
      %reduce_sum3A_131 = vector.extract %reduce_sum3A_130[15] : f32 from vector<16xf32>
      %eq3A = arith.constant 0 : i32
      %eq3A_132 = vector.broadcast %eq3A : i32 to vector<16xi32>
      %eq3A_133 = arith.cmpi eq, %iota3A, %eq3A_132 : vector<16xi32>
      %broadcast_in_dim3A_134 = vector.broadcast %reduce_sum3A_131 : f32 to vector<16xf32>
      %select_n3A = arith.select %eq3A_133, %broadcast_in_dim3A_134, %broadcast_in_dim3A_96 : vector<16xi1>, vector<16xf32>
      %slice3A_135 = vector.extract_strided_slice %get3A_11 {offsets = [4], sizes = [1], strides = [1]} : vector<16xi32> to vector<1xi32>
      %squeeze3A_136 = vector.extract %slice3A_135[0] : i32 from vector<1xi32>
      %shift_right_arithmetic3A_137 = arith.constant 7 : i32
      %shift_right_arithmetic3A_138 = arith.shrsi %squeeze3A_136, %shift_right_arithmetic3A_137 : i32
      %shift_left3A_139 = arith.constant 7 : i32
      %shift_left3A_140 = arith.shli %shift_right_arithmetic3A_138, %shift_left3A_139 : i32
      %multiple_of3A_141 = tpu.assume_multiple %shift_left3A_140, 128 : i32
      %slice3A_142 = vector.extract_strided_slice %get3A_13 {offsets = [4], sizes = [1], strides = [1]} : vector<16xi32> to vector<1xi32>
      %squeeze3A_143 = vector.extract %slice3A_142[0] : i32 from vector<1xi32>
      %shift_right_arithmetic3A_144 = arith.constant 7 : i32
      %shift_right_arithmetic3A_145 = arith.shrsi %squeeze3A_143, %shift_right_arithmetic3A_144 : i32
      %shift_left3A_146 = arith.constant 7 : i32
      %shift_left3A_147 = arith.shli %shift_right_arithmetic3A_145, %shift_left3A_146 : i32
      %multiple_of3A_148 = tpu.assume_multiple %shift_left3A_147, 128 : i32
      %dma_start3A_149 = arith.constant 0 : i32
      %dma_start3A_150 = tpu.memref_slice %arg4[%dma_start3A_149, %multiple_of3A_141] : memref<32x1000000xf32, #tpu.memory_space<hbm>> -> memref<32x128xf32, #tpu.memory_space<hbm>>
      %dma_start3A_151 = arith.constant 0 : i32
      %dma_start3A_152 = tpu.memref_slice %arg4[%dma_start3A_151, %multiple_of3A_141] : memref<32x1000000xf32, #tpu.memory_space<hbm>> -> memref<32x128xf32, #tpu.memory_space<hbm>>
      tpu.enqueue_dma source(%dma_start3A_152 : memref<32x128xf32, #tpu.memory_space<hbm>>) target(%arg10 : memref<32x128xf32, #tpu.memory_space<vmem>>) target_semaphore(%arg18 : memref<!tpu.dma_semaphore, #tpu.memory_space<semaphore_mem>>)
      %dma_start3A_153 = arith.constant 0 : i32
      %dma_start3A_154 = tpu.memref_slice %arg5[%dma_start3A_153, %multiple_of3A_148] : memref<32x1000000xf32, #tpu.memory_space<hbm>> -> memref<32x128xf32, #tpu.memory_space<hbm>>
      %dma_start3A_155 = arith.constant 0 : i32
      %dma_start3A_156 = tpu.memref_slice %arg5[%dma_start3A_155, %multiple_of3A_148] : memref<32x1000000xf32, #tpu.memory_space<hbm>> -> memref<32x128xf32, #tpu.memory_space<hbm>>
      tpu.enqueue_dma source(%dma_start3A_156 : memref<32x128xf32, #tpu.memory_space<hbm>>) target(%arg14 : memref<32x128xf32, #tpu.memory_space<vmem>>) target_semaphore(%arg22 : memref<!tpu.dma_semaphore, #tpu.memory_space<semaphore_mem>>)
      %dma_wait3A_157 = arith.constant 0 : i32
      %dma_wait3A_158 = arith.constant 0 : i32
      %dma_wait3A_159 = tpu.memref_slice %arg4[%dma_wait3A_157, %dma_wait3A_158] : memref<32x1000000xf32, #tpu.memory_space<hbm>> -> memref<32x128xf32, #tpu.memory_space<hbm>>
      %dma_wait3A_160 = arith.constant 0 : i32
      %dma_wait3A_161 = arith.constant 0 : i32
      %dma_wait3A_162 = tpu.memref_slice %arg4[%dma_wait3A_160, %dma_wait3A_161] : memref<32x1000000xf32, #tpu.memory_space<hbm>> -> memref<32x128xf32, #tpu.memory_space<hbm>>
      tpu.wait_dma2 semaphore(%arg19 : memref<!tpu.dma_semaphore, #tpu.memory_space<semaphore_mem>>) src(%dma_wait3A_162 : memref<32x128xf32, #tpu.memory_space<hbm>>) dst(%arg11 : memref<32x128xf32, #tpu.memory_space<vmem>>)
      %dma_wait3A_163 = arith.constant 0 : i32
      %dma_wait3A_164 = arith.constant 0 : i32
      %dma_wait3A_165 = tpu.memref_slice %arg5[%dma_wait3A_163, %dma_wait3A_164] : memref<32x1000000xf32, #tpu.memory_space<hbm>> -> memref<32x128xf32, #tpu.memory_space<hbm>>
      %dma_wait3A_166 = arith.constant 0 : i32
      %dma_wait3A_167 = arith.constant 0 : i32
      %dma_wait3A_168 = tpu.memref_slice %arg5[%dma_wait3A_166, %dma_wait3A_167] : memref<32x1000000xf32, #tpu.memory_space<hbm>> -> memref<32x128xf32, #tpu.memory_space<hbm>>
      tpu.wait_dma2 semaphore(%arg23 : memref<!tpu.dma_semaphore, #tpu.memory_space<semaphore_mem>>) src(%dma_wait3A_168 : memref<32x128xf32, #tpu.memory_space<hbm>>) dst(%arg15 : memref<32x128xf32, #tpu.memory_space<vmem>>)
      %slice3A_169 = vector.extract_strided_slice %get3A_11 {offsets = [1], sizes = [1], strides = [1]} : vector<16xi32> to vector<1xi32>
      %squeeze3A_170 = vector.extract %slice3A_169[0] : i32 from vector<1xi32>
      %and3A_171 = arith.constant 127 : i32
      %and3A_172 = arith.andi %squeeze3A_170, %and3A_171 : i32
      %broadcast_in_dim3A_173 = vector.broadcast %and3A_172 : i32 to vector<16xi32>
      %slice3A_174 = vector.extract_strided_slice %get3A_13 {offsets = [1], sizes = [1], strides = [1]} : vector<16xi32> to vector<1xi32>
      %squeeze3A_175 = vector.extract %slice3A_174[0] : i32 from vector<1xi32>
      %and3A_176 = arith.constant 127 : i32
      %and3A_177 = arith.andi %squeeze3A_175, %and3A_176 : i32
      %broadcast_in_dim3A_178 = vector.broadcast %and3A_177 : i32 to vector<16xi32>
      %gather3A_179 = tpu.vector_load_idx %arg11[%iota3A, %broadcast_in_dim3A_173] : memref<32x128xf32, #tpu.memory_space<vmem>>[vector<16xi32>, vector<16xi32>], vector<16xf32>,
      %add3A_180 = arith.constant 16 : i32
      %add3A_181 = vector.broadcast %add3A_180 : i32 to vector<16xi32>
      %add3A_182 = arith.addi %iota3A, %add3A_181 : vector<16xi32>
      %gather3A_183 = tpu.vector_load_idx %arg11[%add3A_182, %broadcast_in_dim3A_173] : memref<32x128xf32, #tpu.memory_space<vmem>>[vector<16xi32>, vector<16xi32>], vector<16xf32>,
      %gather3A_184 = tpu.vector_load_idx %arg15[%iota3A, %broadcast_in_dim3A_178] : memref<32x128xf32, #tpu.memory_space<vmem>>[vector<16xi32>, vector<16xi32>], vector<16xf32>,
      %add3A_185 = arith.constant 16 : i32
      %add3A_186 = vector.broadcast %add3A_185 : i32 to vector<16xi32>
      %add3A_187 = arith.addi %iota3A, %add3A_186 : vector<16xi32>
      %gather3A_188 = tpu.vector_load_idx %arg15[%add3A_187, %broadcast_in_dim3A_178] : memref<32x128xf32, #tpu.memory_space<vmem>>[vector<16xi32>, vector<16xi32>], vector<16xf32>,
      %mul3A_189 = arith.mulf %gather3A_179, %gather3A_184 : vector<16xf32>
      %mul3A_190 = arith.mulf %gather3A_183, %gather3A_188 : vector<16xf32>
      %add3A_191 = arith.addf %mul3A_189, %mul3A_190 : vector<16xf32>
      %reduce_sum3A_192 = arith.constant true
      %reduce_sum3A_193 = vector.broadcast %reduce_sum3A_192 : i1 to vector<16xi1>
      %reduce_sum3A_194 = tpu.scan <sum>, %add3A_191 masked %reduce_sum3A_193 : vector<16xf32>, vector<16xi1> -> vector<16xf32>
      %reduce_sum3A_195 = vector.extract %reduce_sum3A_194[15] : f32 from vector<16xf32>
      %eq3A_196 = arith.constant 1 : i32
      %eq3A_197 = vector.broadcast %eq3A_196 : i32 to vector<16xi32>
      %eq3A_198 = arith.cmpi eq, %iota3A, %eq3A_197 : vector<16xi32>
      %broadcast_in_dim3A_199 = vector.broadcast %reduce_sum3A_195 : f32 to vector<16xf32>
      %select_n3A_200 = arith.select %eq3A_198, %broadcast_in_dim3A_199, %select_n3A : vector<16xi1>, vector<16xf32>
      %slice3A_201 = vector.extract_strided_slice %get3A_11 {offsets = [5], sizes = [1], strides = [1]} : vector<16xi32> to vector<1xi32>
      %squeeze3A_202 = vector.extract %slice3A_201[0] : i32 from vector<1xi32>
      %shift_right_arithmetic3A_203 = arith.constant 7 : i32
      %shift_right_arithmetic3A_204 = arith.shrsi %squeeze3A_202, %shift_right_arithmetic3A_203 : i32
      %shift_left3A_205 = arith.constant 7 : i32
      %shift_left3A_206 = arith.shli %shift_right_arithmetic3A_204, %shift_left3A_205 : i32
      %multiple_of3A_207 = tpu.assume_multiple %shift_left3A_206, 128 : i32
      %slice3A_208 = vector.extract_strided_slice %get3A_13 {offsets = [5], sizes = [1], strides = [1]} : vector<16xi32> to vector<1xi32>
      %squeeze3A_209 = vector.extract %slice3A_208[0] : i32 from vector<1xi32>
      %shift_right_arithmetic3A_210 = arith.constant 7 : i32
      %shift_right_arithmetic3A_211 = arith.shrsi %squeeze3A_209, %shift_right_arithmetic3A_210 : i32
      %shift_left3A_212 = arith.constant 7 : i32
      %shift_left3A_213 = arith.shli %shift_right_arithmetic3A_211, %shift_left3A_212 : i32
      %multiple_of3A_214 = tpu.assume_multiple %shift_left3A_213, 128 : i32
      %dma_start3A_215 = arith.constant 0 : i32
      %dma_start3A_216 = tpu.memref_slice %arg4[%dma_start3A_215, %multiple_of3A_207] : memref<32x1000000xf32, #tpu.memory_space<hbm>> -> memref<32x128xf32, #tpu.memory_space<hbm>>
      %dma_start3A_217 = arith.constant 0 : i32
      %dma_start3A_218 = tpu.memref_slice %arg4[%dma_start3A_217, %multiple_of3A_207] : memref<32x1000000xf32, #tpu.memory_space<hbm>> -> memref<32x128xf32, #tpu.memory_space<hbm>>
      tpu.enqueue_dma source(%dma_start3A_218 : memref<32x128xf32, #tpu.memory_space<hbm>>) target(%arg11 : memref<32x128xf32, #tpu.memory_space<vmem>>) target_semaphore(%arg19 : memref<!tpu.dma_semaphore, #tpu.memory_space<semaphore_mem>>)
      %dma_start3A_219 = arith.constant 0 : i32
      %dma_start3A_220 = tpu.memref_slice %arg5[%dma_start3A_219, %multiple_of3A_214] : memref<32x1000000xf32, #tpu.memory_space<hbm>> -> memref<32x128xf32, #tpu.memory_space<hbm>>
      %dma_start3A_221 = arith.constant 0 : i32
      %dma_start3A_222 = tpu.memref_slice %arg5[%dma_start3A_221, %multiple_of3A_214] : memref<32x1000000xf32, #tpu.memory_space<hbm>> -> memref<32x128xf32, #tpu.memory_space<hbm>>
      tpu.enqueue_dma source(%dma_start3A_222 : memref<32x128xf32, #tpu.memory_space<hbm>>) target(%arg15 : memref<32x128xf32, #tpu.memory_space<vmem>>) target_semaphore(%arg23 : memref<!tpu.dma_semaphore, #tpu.memory_space<semaphore_mem>>)
      %dma_wait3A_223 = arith.constant 0 : i32
      %dma_wait3A_224 = arith.constant 0 : i32
      %dma_wait3A_225 = tpu.memref_slice %arg4[%dma_wait3A_223, %dma_wait3A_224] : memref<32x1000000xf32, #tpu.memory_space<hbm>> -> memref<32x128xf32, #tpu.memory_space<hbm>>
      %dma_wait3A_226 = arith.constant 0 : i32
      %dma_wait3A_227 = arith.constant 0 : i32
      %dma_wait3A_228 = tpu.memref_slice %arg4[%dma_wait3A_226, %dma_wait3A_227] : memref<32x1000000xf32, #tpu.memory_space<hbm>> -> memref<32x128xf32, #tpu.memory_space<hbm>>
      tpu.wait_dma2 semaphore(%arg20 : memref<!tpu.dma_semaphore, #tpu.memory_space<semaphore_mem>>) src(%dma_wait3A_228 : memref<32x128xf32, #tpu.memory_space<hbm>>) dst(%arg12 : memref<32x128xf32, #tpu.memory_space<vmem>>)
      %dma_wait3A_229 = arith.constant 0 : i32
      %dma_wait3A_230 = arith.constant 0 : i32
      %dma_wait3A_231 = tpu.memref_slice %arg5[%dma_wait3A_229, %dma_wait3A_230] : memref<32x1000000xf32, #tpu.memory_space<hbm>> -> memref<32x128xf32, #tpu.memory_space<hbm>>
      %dma_wait3A_232 = arith.constant 0 : i32
      %dma_wait3A_233 = arith.constant 0 : i32
      %dma_wait3A_234 = tpu.memref_slice %arg5[%dma_wait3A_232, %dma_wait3A_233] : memref<32x1000000xf32, #tpu.memory_space<hbm>> -> memref<32x128xf32, #tpu.memory_space<hbm>>
      tpu.wait_dma2 semaphore(%arg24 : memref<!tpu.dma_semaphore, #tpu.memory_space<semaphore_mem>>) src(%dma_wait3A_234 : memref<32x128xf32, #tpu.memory_space<hbm>>) dst(%arg16 : memref<32x128xf32, #tpu.memory_space<vmem>>)
      %slice3A_235 = vector.extract_strided_slice %get3A_11 {offsets = [2], sizes = [1], strides = [1]} : vector<16xi32> to vector<1xi32>
      %squeeze3A_236 = vector.extract %slice3A_235[0] : i32 from vector<1xi32>
      %and3A_237 = arith.constant 127 : i32
      %and3A_238 = arith.andi %squeeze3A_236, %and3A_237 : i32
      %broadcast_in_dim3A_239 = vector.broadcast %and3A_238 : i32 to vector<16xi32>
      %slice3A_240 = vector.extract_strided_slice %get3A_13 {offsets = [2], sizes = [1], strides = [1]} : vector<16xi32> to vector<1xi32>
      %squeeze3A_241 = vector.extract %slice3A_240[0] : i32 from vector<1xi32>
      %and3A_242 = arith.constant 127 : i32
      %and3A_243 = arith.andi %squeeze3A_241, %and3A_242 : i32
      %broadcast_in_dim3A_244 = vector.broadcast %and3A_243 : i32 to vector<16xi32>
      %gather3A_245 = tpu.vector_load_idx %arg12[%iota3A, %broadcast_in_dim3A_239] : memref<32x128xf32, #tpu.memory_space<vmem>>[vector<16xi32>, vector<16xi32>], vector<16xf32>,
      %add3A_246 = arith.constant 16 : i32
      %add3A_247 = vector.broadcast %add3A_246 : i32 to vector<16xi32>
      %add3A_248 = arith.addi %iota3A, %add3A_247 : vector<16xi32>
      %gather3A_249 = tpu.vector_load_idx %arg12[%add3A_248, %broadcast_in_dim3A_239] : memref<32x128xf32, #tpu.memory_space<vmem>>[vector<16xi32>, vector<16xi32>], vector<16xf32>,
      %gather3A_250 = tpu.vector_load_idx %arg16[%iota3A, %broadcast_in_dim3A_244] : memref<32x128xf32, #tpu.memory_space<vmem>>[vector<16xi32>, vector<16xi32>], vector<16xf32>,
      %add3A_251 = arith.constant 16 : i32
      %add3A_252 = vector.broadcast %add3A_251 : i32 to vector<16xi32>
      %add3A_253 = arith.addi %iota3A, %add3A_252 : vector<16xi32>
      %gather3A_254 = tpu.vector_load_idx %arg16[%add3A_253, %broadcast_in_dim3A_244] : memref<32x128xf32, #tpu.memory_space<vmem>>[vector<16xi32>, vector<16xi32>], vector<16xf32>,
      %mul3A_255 = arith.mulf %gather3A_245, %gather3A_250 : vector<16xf32>
      %mul3A_256 = arith.mulf %gather3A_249, %gather3A_254 : vector<16xf32>
      %add3A_257 = arith.addf %mul3A_255, %mul3A_256 : vector<16xf32>
      %reduce_sum3A_258 = arith.constant true
      %reduce_sum3A_259 = vector.broadcast %reduce_sum3A_258 : i1 to vector<16xi1>
      %reduce_sum3A_260 = tpu.scan <sum>, %add3A_257 masked %reduce_sum3A_259 : vector<16xf32>, vector<16xi1> -> vector<16xf32>
      %reduce_sum3A_261 = vector.extract %reduce_sum3A_260[15] : f32 from vector<16xf32>
      %eq3A_262 = arith.constant 2 : i32
      %eq3A_263 = vector.broadcast %eq3A_262 : i32 to vector<16xi32>
      %eq3A_264 = arith.cmpi eq, %iota3A, %eq3A_263 : vector<16xi32>
      %broadcast_in_dim3A_265 = vector.broadcast %reduce_sum3A_261 : f32 to vector<16xf32>
      %select_n3A_266 = arith.select %eq3A_264, %broadcast_in_dim3A_265, %select_n3A_200 : vector<16xi1>, vector<16xf32>
      %slice3A_267 = vector.extract_strided_slice %get3A_11 {offsets = [6], sizes = [1], strides = [1]} : vector<16xi32> to vector<1xi32>
      %squeeze3A_268 = vector.extract %slice3A_267[0] : i32 from vector<1xi32>
      %shift_right_arithmetic3A_269 = arith.constant 7 : i32
      %shift_right_arithmetic3A_270 = arith.shrsi %squeeze3A_268, %shift_right_arithmetic3A_269 : i32
      %shift_left3A_271 = arith.constant 7 : i32
      %shift_left3A_272 = arith.shli %shift_right_arithmetic3A_270, %shift_left3A_271 : i32
      %multiple_of3A_273 = tpu.assume_multiple %shift_left3A_272, 128 : i32
      %slice3A_274 = vector.extract_strided_slice %get3A_13 {offsets = [6], sizes = [1], strides = [1]} : vector<16xi32> to vector<1xi32>
      %squeeze3A_275 = vector.extract %slice3A_274[0] : i32 from vector<1xi32>
      %shift_right_arithmetic3A_276 = arith.constant 7 : i32
      %shift_right_arithmetic3A_277 = arith.shrsi %squeeze3A_275, %shift_right_arithmetic3A_276 : i32
      %shift_left3A_278 = arith.constant 7 : i32
      %shift_left3A_279 = arith.shli %shift_right_arithmetic3A_277, %shift_left3A_278 : i32
      %multiple_of3A_280 = tpu.assume_multiple %shift_left3A_279, 128 : i32
      %dma_start3A_281 = arith.constant 0 : i32
      %dma_start3A_282 = tpu.memref_slice %arg4[%dma_start3A_281, %multiple_of3A_273] : memref<32x1000000xf32, #tpu.memory_space<hbm>> -> memref<32x128xf32, #tpu.memory_space<hbm>>
      %dma_start3A_283 = arith.constant 0 : i32
      %dma_start3A_284 = tpu.memref_slice %arg4[%dma_start3A_283, %multiple_of3A_273] : memref<32x1000000xf32, #tpu.memory_space<hbm>> -> memref<32x128xf32, #tpu.memory_space<hbm>>
      tpu.enqueue_dma source(%dma_start3A_284 : memref<32x128xf32, #tpu.memory_space<hbm>>) target(%arg12 : memref<32x128xf32, #tpu.memory_space<vmem>>) target_semaphore(%arg20 : memref<!tpu.dma_semaphore, #tpu.memory_space<semaphore_mem>>)
      %dma_start3A_285 = arith.constant 0 : i32
      %dma_start3A_286 = tpu.memref_slice %arg5[%dma_start3A_285, %multiple_of3A_280] : memref<32x1000000xf32, #tpu.memory_space<hbm>> -> memref<32x128xf32, #tpu.memory_space<hbm>>
      %dma_start3A_287 = arith.constant 0 : i32
      %dma_start3A_288 = tpu.memref_slice %arg5[%dma_start3A_287, %multiple_of3A_280] : memref<32x1000000xf32, #tpu.memory_space<hbm>> -> memref<32x128xf32, #tpu.memory_space<hbm>>
      tpu.enqueue_dma source(%dma_start3A_288 : memref<32x128xf32, #tpu.memory_space<hbm>>) target(%arg16 : memref<32x128xf32, #tpu.memory_space<vmem>>) target_semaphore(%arg24 : memref<!tpu.dma_semaphore, #tpu.memory_space<semaphore_mem>>)
      %dma_wait3A_289 = arith.constant 0 : i32
      %dma_wait3A_290 = arith.constant 0 : i32
      %dma_wait3A_291 = tpu.memref_slice %arg4[%dma_wait3A_289, %dma_wait3A_290] : memref<32x1000000xf32, #tpu.memory_space<hbm>> -> memref<32x128xf32, #tpu.memory_space<hbm>>
      %dma_wait3A_292 = arith.constant 0 : i32
      %dma_wait3A_293 = arith.constant 0 : i32
      %dma_wait3A_294 = tpu.memref_slice %arg4[%dma_wait3A_292, %dma_wait3A_293] : memref<32x1000000xf32, #tpu.memory_space<hbm>> -> memref<32x128xf32, #tpu.memory_space<hbm>>
      tpu.wait_dma2 semaphore(%arg21 : memref<!tpu.dma_semaphore, #tpu.memory_space<semaphore_mem>>) src(%dma_wait3A_294 : memref<32x128xf32, #tpu.memory_space<hbm>>) dst(%arg13 : memref<32x128xf32, #tpu.memory_space<vmem>>)
      %dma_wait3A_295 = arith.constant 0 : i32
      %dma_wait3A_296 = arith.constant 0 : i32
      %dma_wait3A_297 = tpu.memref_slice %arg5[%dma_wait3A_295, %dma_wait3A_296] : memref<32x1000000xf32, #tpu.memory_space<hbm>> -> memref<32x128xf32, #tpu.memory_space<hbm>>
      %dma_wait3A_298 = arith.constant 0 : i32
      %dma_wait3A_299 = arith.constant 0 : i32
      %dma_wait3A_300 = tpu.memref_slice %arg5[%dma_wait3A_298, %dma_wait3A_299] : memref<32x1000000xf32, #tpu.memory_space<hbm>> -> memref<32x128xf32, #tpu.memory_space<hbm>>
      tpu.wait_dma2 semaphore(%arg25 : memref<!tpu.dma_semaphore, #tpu.memory_space<semaphore_mem>>) src(%dma_wait3A_300 : memref<32x128xf32, #tpu.memory_space<hbm>>) dst(%arg17 : memref<32x128xf32, #tpu.memory_space<vmem>>)
      %slice3A_301 = vector.extract_strided_slice %get3A_11 {offsets = [3], sizes = [1], strides = [1]} : vector<16xi32> to vector<1xi32>
      %squeeze3A_302 = vector.extract %slice3A_301[0] : i32 from vector<1xi32>
      %and3A_303 = arith.constant 127 : i32
      %and3A_304 = arith.andi %squeeze3A_302, %and3A_303 : i32
      %broadcast_in_dim3A_305 = vector.broadcast %and3A_304 : i32 to vector<16xi32>
      %slice3A_306 = vector.extract_strided_slice %get3A_13 {offsets = [3], sizes = [1], strides = [1]} : vector<16xi32> to vector<1xi32>
      %squeeze3A_307 = vector.extract %slice3A_306[0] : i32 from vector<1xi32>
      %and3A_308 = arith.constant 127 : i32
      %and3A_309 = arith.andi %squeeze3A_307, %and3A_308 : i32
      %broadcast_in_dim3A_310 = vector.broadcast %and3A_309 : i32 to vector<16xi32>
      %gather3A_311 = tpu.vector_load_idx %arg13[%iota3A, %broadcast_in_dim3A_305] : memref<32x128xf32, #tpu.memory_space<vmem>>[vector<16xi32>, vector<16xi32>], vector<16xf32>,
      %add3A_312 = arith.constant 16 : i32
      %add3A_313 = vector.broadcast %add3A_312 : i32 to vector<16xi32>
      %add3A_314 = arith.addi %iota3A, %add3A_313 : vector<16xi32>
      %gather3A_315 = tpu.vector_load_idx %arg13[%add3A_314, %broadcast_in_dim3A_305] : memref<32x128xf32, #tpu.memory_space<vmem>>[vector<16xi32>, vector<16xi32>], vector<16xf32>,
      %gather3A_316 = tpu.vector_load_idx %arg17[%iota3A, %broadcast_in_dim3A_310] : memref<32x128xf32, #tpu.memory_space<vmem>>[vector<16xi32>, vector<16xi32>], vector<16xf32>,
      %add3A_317 = arith.constant 16 : i32
      %add3A_318 = vector.broadcast %add3A_317 : i32 to vector<16xi32>
      %add3A_319 = arith.addi %iota3A, %add3A_318 : vector<16xi32>
      %gather3A_320 = tpu.vector_load_idx %arg17[%add3A_319, %broadcast_in_dim3A_310] : memref<32x128xf32, #tpu.memory_space<vmem>>[vector<16xi32>, vector<16xi32>], vector<16xf32>,
      %mul3A_321 = arith.mulf %gather3A_311, %gather3A_316 : vector<16xf32>
      %mul3A_322 = arith.mulf %gather3A_315, %gather3A_320 : vector<16xf32>
      %add3A_323 = arith.addf %mul3A_321, %mul3A_322 : vector<16xf32>
      %reduce_sum3A_324 = arith.constant true
      %reduce_sum3A_325 = vector.broadcast %reduce_sum3A_324 : i1 to vector<16xi1>
      %reduce_sum3A_326 = tpu.scan <sum>, %add3A_323 masked %reduce_sum3A_325 : vector<16xf32>, vector<16xi1> -> vector<16xf32>
      %reduce_sum3A_327 = vector.extract %reduce_sum3A_326[15] : f32 from vector<16xf32>
      %eq3A_328 = arith.constant 3 : i32
      %eq3A_329 = vector.broadcast %eq3A_328 : i32 to vector<16xi32>
      %eq3A_330 = arith.cmpi eq, %iota3A, %eq3A_329 : vector<16xi32>
      %broadcast_in_dim3A_331 = vector.broadcast %reduce_sum3A_327 : f32 to vector<16xf32>
      %select_n3A_332 = arith.select %eq3A_330, %broadcast_in_dim3A_331, %select_n3A_266 : vector<16xi1>, vector<16xf32>
      %slice3A_333 = vector.extract_strided_slice %get3A_11 {offsets = [7], sizes = [1], strides = [1]} : vector<16xi32> to vector<1xi32>
      %squeeze3A_334 = vector.extract %slice3A_333[0] : i32 from vector<1xi32>
      %shift_right_arithmetic3A_335 = arith.constant 7 : i32
      %shift_right_arithmetic3A_336 = arith.shrsi %squeeze3A_334, %shift_right_arithmetic3A_335 : i32
      %shift_left3A_337 = arith.constant 7 : i32
      %shift_left3A_338 = arith.shli %shift_right_arithmetic3A_336, %shift_left3A_337 : i32
      %multiple_of3A_339 = tpu.assume_multiple %shift_left3A_338, 128 : i32
      %slice3A_340 = vector.extract_strided_slice %get3A_13 {offsets = [7], sizes = [1], strides = [1]} : vector<16xi32> to vector<1xi32>
      %squeeze3A_341 = vector.extract %slice3A_340[0] : i32 from vector<1xi32>
      %shift_right_arithmetic3A_342 = arith.constant 7 : i32
      %shift_right_arithmetic3A_343 = arith.shrsi %squeeze3A_341, %shift_right_arithmetic3A_342 : i32
      %shift_left3A_344 = arith.constant 7 : i32
      %shift_left3A_345 = arith.shli %shift_right_arithmetic3A_343, %shift_left3A_344 : i32
      %multiple_of3A_346 = tpu.assume_multiple %shift_left3A_345, 128 : i32
      %dma_start3A_347 = arith.constant 0 : i32
      %dma_start3A_348 = tpu.memref_slice %arg4[%dma_start3A_347, %multiple_of3A_339] : memref<32x1000000xf32, #tpu.memory_space<hbm>> -> memref<32x128xf32, #tpu.memory_space<hbm>>
      %dma_start3A_349 = arith.constant 0 : i32
      %dma_start3A_350 = tpu.memref_slice %arg4[%dma_start3A_349, %multiple_of3A_339] : memref<32x1000000xf32, #tpu.memory_space<hbm>> -> memref<32x128xf32, #tpu.memory_space<hbm>>
      tpu.enqueue_dma source(%dma_start3A_350 : memref<32x128xf32, #tpu.memory_space<hbm>>) target(%arg13 : memref<32x128xf32, #tpu.memory_space<vmem>>) target_semaphore(%arg21 : memref<!tpu.dma_semaphore, #tpu.memory_space<semaphore_mem>>)
      %dma_start3A_351 = arith.constant 0 : i32
      %dma_start3A_352 = tpu.memref_slice %arg5[%dma_start3A_351, %multiple_of3A_346] : memref<32x1000000xf32, #tpu.memory_space<hbm>> -> memref<32x128xf32, #tpu.memory_space<hbm>>
      %dma_start3A_353 = arith.constant 0 : i32
      %dma_start3A_354 = tpu.memref_slice %arg5[%dma_start3A_353, %multiple_of3A_346] : memref<32x1000000xf32, #tpu.memory_space<hbm>> -> memref<32x128xf32, #tpu.memory_space<hbm>>
      tpu.enqueue_dma source(%dma_start3A_354 : memref<32x128xf32, #tpu.memory_space<hbm>>) target(%arg17 : memref<32x128xf32, #tpu.memory_space<vmem>>) target_semaphore(%arg25 : memref<!tpu.dma_semaphore, #tpu.memory_space<semaphore_mem>>)
      %dma_wait3A_355 = arith.constant 0 : i32
      %dma_wait3A_356 = arith.constant 0 : i32
      %dma_wait3A_357 = tpu.memref_slice %arg4[%dma_wait3A_355, %dma_wait3A_356] : memref<32x1000000xf32, #tpu.memory_space<hbm>> -> memref<32x128xf32, #tpu.memory_space<hbm>>
      %dma_wait3A_358 = arith.constant 0 : i32
      %dma_wait3A_359 = arith.constant 0 : i32
      %dma_wait3A_360 = tpu.memref_slice %arg4[%dma_wait3A_358, %dma_wait3A_359] : memref<32x1000000xf32, #tpu.memory_space<hbm>> -> memref<32x128xf32, #tpu.memory_space<hbm>>
      tpu.wait_dma2 semaphore(%arg18 : memref<!tpu.dma_semaphore, #tpu.memory_space<semaphore_mem>>) src(%dma_wait3A_360 : memref<32x128xf32, #tpu.memory_space<hbm>>) dst(%arg10 : memref<32x128xf32, #tpu.memory_space<vmem>>)
      %dma_wait3A_361 = arith.constant 0 : i32
      %dma_wait3A_362 = arith.constant 0 : i32
      %dma_wait3A_363 = tpu.memref_slice %arg5[%dma_wait3A_361, %dma_wait3A_362] : memref<32x1000000xf32, #tpu.memory_space<hbm>> -> memref<32x128xf32, #tpu.memory_space<hbm>>
      %dma_wait3A_364 = arith.constant 0 : i32
      %dma_wait3A_365 = arith.constant 0 : i32
      %dma_wait3A_366 = tpu.memref_slice %arg5[%dma_wait3A_364, %dma_wait3A_365] : memref<32x1000000xf32, #tpu.memory_space<hbm>> -> memref<32x128xf32, #tpu.memory_space<hbm>>
      tpu.wait_dma2 semaphore(%arg22 : memref<!tpu.dma_semaphore, #tpu.memory_space<semaphore_mem>>) src(%dma_wait3A_366 : memref<32x128xf32, #tpu.memory_space<hbm>>) dst(%arg14 : memref<32x128xf32, #tpu.memory_space<vmem>>)
      %slice3A_367 = vector.extract_strided_slice %get3A_11 {offsets = [4], sizes = [1], strides = [1]} : vector<16xi32> to vector<1xi32>
      %squeeze3A_368 = vector.extract %slice3A_367[0] : i32 from vector<1xi32>
      %and3A_369 = arith.constant 127 : i32
      %and3A_370 = arith.andi %squeeze3A_368, %and3A_369 : i32
      %broadcast_in_dim3A_371 = vector.broadcast %and3A_370 : i32 to vector<16xi32>
      %slice3A_372 = vector.extract_strided_slice %get3A_13 {offsets = [4], sizes = [1], strides = [1]} : vector<16xi32> to vector<1xi32>
      %squeeze3A_373 = vector.extract %slice3A_372[0] : i32 from vector<1xi32>
      %and3A_374 = arith.constant 127 : i32
      %and3A_375 = arith.andi %squeeze3A_373, %and3A_374 : i32
      %broadcast_in_dim3A_376 = vector.broadcast %and3A_375 : i32 to vector<16xi32>
      %gather3A_377 = tpu.vector_load_idx %arg10[%iota3A, %broadcast_in_dim3A_371] : memref<32x128xf32, #tpu.memory_space<vmem>>[vector<16xi32>, vector<16xi32>], vector<16xf32>,
      %add3A_378 = arith.constant 16 : i32
      %add3A_379 = vector.broadcast %add3A_378 : i32 to vector<16xi32>
      %add3A_380 = arith.addi %iota3A, %add3A_379 : vector<16xi32>
      %gather3A_381 = tpu.vector_load_idx %arg10[%add3A_380, %broadcast_in_dim3A_371] : memref<32x128xf32, #tpu.memory_space<vmem>>[vector<16xi32>, vector<16xi32>], vector<16xf32>,
      %gather3A_382 = tpu.vector_load_idx %arg14[%iota3A, %broadcast_in_dim3A_376] : memref<32x128xf32, #tpu.memory_space<vmem>>[vector<16xi32>, vector<16xi32>], vector<16xf32>,
      %add3A_383 = arith.constant 16 : i32
      %add3A_384 = vector.broadcast %add3A_383 : i32 to vector<16xi32>
      %add3A_385 = arith.addi %iota3A, %add3A_384 : vector<16xi32>
      %gather3A_386 = tpu.vector_load_idx %arg14[%add3A_385, %broadcast_in_dim3A_376] : memref<32x128xf32, #tpu.memory_space<vmem>>[vector<16xi32>, vector<16xi32>], vector<16xf32>,
      %mul3A_387 = arith.mulf %gather3A_377, %gather3A_382 : vector<16xf32>
      %mul3A_388 = arith.mulf %gather3A_381, %gather3A_386 : vector<16xf32>
      %add3A_389 = arith.addf %mul3A_387, %mul3A_388 : vector<16xf32>
      %reduce_sum3A_390 = arith.constant true
      %reduce_sum3A_391 = vector.broadcast %reduce_sum3A_390 : i1 to vector<16xi1>
      %reduce_sum3A_392 = tpu.scan <sum>, %add3A_389 masked %reduce_sum3A_391 : vector<16xf32>, vector<16xi1> -> vector<16xf32>
      %reduce_sum3A_393 = vector.extract %reduce_sum3A_392[15] : f32 from vector<16xf32>
      %eq3A_394 = arith.constant 4 : i32
      %eq3A_395 = vector.broadcast %eq3A_394 : i32 to vector<16xi32>
      %eq3A_396 = arith.cmpi eq, %iota3A, %eq3A_395 : vector<16xi32>
      %broadcast_in_dim3A_397 = vector.broadcast %reduce_sum3A_393 : f32 to vector<16xf32>
      %select_n3A_398 = arith.select %eq3A_396, %broadcast_in_dim3A_397, %select_n3A_332 : vector<16xi1>, vector<16xf32>
      %slice3A_399 = vector.extract_strided_slice %get3A_11 {offsets = [8], sizes = [1], strides = [1]} : vector<16xi32> to vector<1xi32>
      %squeeze3A_400 = vector.extract %slice3A_399[0] : i32 from vector<1xi32>
      %shift_right_arithmetic3A_401 = arith.constant 7 : i32
      %shift_right_arithmetic3A_402 = arith.shrsi %squeeze3A_400, %shift_right_arithmetic3A_401 : i32
      %shift_left3A_403 = arith.constant 7 : i32
      %shift_left3A_404 = arith.shli %shift_right_arithmetic3A_402, %shift_left3A_403 : i32
      %multiple_of3A_405 = tpu.assume_multiple %shift_left3A_404, 128 : i32
      %slice3A_406 = vector.extract_strided_slice %get3A_13 {offsets = [8], sizes = [1], strides = [1]} : vector<16xi32> to vector<1xi32>
      %squeeze3A_407 = vector.extract %slice3A_406[0] : i32 from vector<1xi32>
      %shift_right_arithmetic3A_408 = arith.constant 7 : i32
      %shift_right_arithmetic3A_409 = arith.shrsi %squeeze3A_407, %shift_right_arithmetic3A_408 : i32
      %shift_left3A_410 = arith.constant 7 : i32
      %shift_left3A_411 = arith.shli %shift_right_arithmetic3A_409, %shift_left3A_410 : i32
      %multiple_of3A_412 = tpu.assume_multiple %shift_left3A_411, 128 : i32
      %dma_start3A_413 = arith.constant 0 : i32
      %dma_start3A_414 = tpu.memref_slice %arg4[%dma_start3A_413, %multiple_of3A_405] : memref<32x1000000xf32, #tpu.memory_space<hbm>> -> memref<32x128xf32, #tpu.memory_space<hbm>>
      %dma_start3A_415 = arith.constant 0 : i32
      %dma_start3A_416 = tpu.memref_slice %arg4[%dma_start3A_415, %multiple_of3A_405] : memref<32x1000000xf32, #tpu.memory_space<hbm>> -> memref<32x128xf32, #tpu.memory_space<hbm>>
      tpu.enqueue_dma source(%dma_start3A_416 : memref<32x128xf32, #tpu.memory_space<hbm>>) target(%arg10 : memref<32x128xf32, #tpu.memory_space<vmem>>) target_semaphore(%arg18 : memref<!tpu.dma_semaphore, #tpu.memory_space<semaphore_mem>>)
      %dma_start3A_417 = arith.constant 0 : i32
      %dma_start3A_418 = tpu.memref_slice %arg5[%dma_start3A_417, %multiple_of3A_412] : memref<32x1000000xf32, #tpu.memory_space<hbm>> -> memref<32x128xf32, #tpu.memory_space<hbm>>
      %dma_start3A_419 = arith.constant 0 : i32
      %dma_start3A_420 = tpu.memref_slice %arg5[%dma_start3A_419, %multiple_of3A_412] : memref<32x1000000xf32, #tpu.memory_space<hbm>> -> memref<32x128xf32, #tpu.memory_space<hbm>>
      tpu.enqueue_dma source(%dma_start3A_420 : memref<32x128xf32, #tpu.memory_space<hbm>>) target(%arg14 : memref<32x128xf32, #tpu.memory_space<vmem>>) target_semaphore(%arg22 : memref<!tpu.dma_semaphore, #tpu.memory_space<semaphore_mem>>)
      %dma_wait3A_421 = arith.constant 0 : i32
      %dma_wait3A_422 = arith.constant 0 : i32
      %dma_wait3A_423 = tpu.memref_slice %arg4[%dma_wait3A_421, %dma_wait3A_422] : memref<32x1000000xf32, #tpu.memory_space<hbm>> -> memref<32x128xf32, #tpu.memory_space<hbm>>
      %dma_wait3A_424 = arith.constant 0 : i32
      %dma_wait3A_425 = arith.constant 0 : i32
      %dma_wait3A_426 = tpu.memref_slice %arg4[%dma_wait3A_424, %dma_wait3A_425] : memref<32x1000000xf32, #tpu.memory_space<hbm>> -> memref<32x128xf32, #tpu.memory_space<hbm>>
      tpu.wait_dma2 semaphore(%arg19 : memref<!tpu.dma_semaphore, #tpu.memory_space<semaphore_mem>>) src(%dma_wait3A_426 : memref<32x128xf32, #tpu.memory_space<hbm>>) dst(%arg11 : memref<32x128xf32, #tpu.memory_space<vmem>>)
      %dma_wait3A_427 = arith.constant 0 : i32
      %dma_wait3A_428 = arith.constant 0 : i32
      %dma_wait3A_429 = tpu.memref_slice %arg5[%dma_wait3A_427, %dma_wait3A_428] : memref<32x1000000xf32, #tpu.memory_space<hbm>> -> memref<32x128xf32, #tpu.memory_space<hbm>>
      %dma_wait3A_430 = arith.constant 0 : i32
      %dma_wait3A_431 = arith.constant 0 : i32
      %dma_wait3A_432 = tpu.memref_slice %arg5[%dma_wait3A_430, %dma_wait3A_431] : memref<32x1000000xf32, #tpu.memory_space<hbm>> -> memref<32x128xf32, #tpu.memory_space<hbm>>
      tpu.wait_dma2 semaphore(%arg23 : memref<!tpu.dma_semaphore, #tpu.memory_space<semaphore_mem>>) src(%dma_wait3A_432 : memref<32x128xf32, #tpu.memory_space<hbm>>) dst(%arg15 : memref<32x128xf32, #tpu.memory_space<vmem>>)
      %slice3A_433 = vector.extract_strided_slice %get3A_11 {offsets = [5], sizes = [1], strides = [1]} : vector<16xi32> to vector<1xi32>
      %squeeze3A_434 = vector.extract %slice3A_433[0] : i32 from vector<1xi32>
      %and3A_435 = arith.constant 127 : i32
      %and3A_436 = arith.andi %squeeze3A_434, %and3A_435 : i32
      %broadcast_in_dim3A_437 = vector.broadcast %and3A_436 : i32 to vector<16xi32>
      %slice3A_438 = vector.extract_strided_slice %get3A_13 {offsets = [5], sizes = [1], strides = [1]} : vector<16xi32> to vector<1xi32>
      %squeeze3A_439 = vector.extract %slice3A_438[0] : i32 from vector<1xi32>
      %and3A_440 = arith.constant 127 : i32
      %and3A_441 = arith.andi %squeeze3A_439, %and3A_440 : i32
      %broadcast_in_dim3A_442 = vector.broadcast %and3A_441 : i32 to vector<16xi32>
      %gather3A_443 = tpu.vector_load_idx %arg11[%iota3A, %broadcast_in_dim3A_437] : memref<32x128xf32, #tpu.memory_space<vmem>>[vector<16xi32>, vector<16xi32>], vector<16xf32>,
      %add3A_444 = arith.constant 16 : i32
      %add3A_445 = vector.broadcast %add3A_444 : i32 to vector<16xi32>
      %add3A_446 = arith.addi %iota3A, %add3A_445 : vector<16xi32>
      %gather3A_447 = tpu.vector_load_idx %arg11[%add3A_446, %broadcast_in_dim3A_437] : memref<32x128xf32, #tpu.memory_space<vmem>>[vector<16xi32>, vector<16xi32>], vector<16xf32>,
      %gather3A_448 = tpu.vector_load_idx %arg15[%iota3A, %broadcast_in_dim3A_442] : memref<32x128xf32, #tpu.memory_space<vmem>>[vector<16xi32>, vector<16xi32>], vector<16xf32>,
      %add3A_449 = arith.constant 16 : i32
      %add3A_450 = vector.broadcast %add3A_449 : i32 to vector<16xi32>
      %add3A_451 = arith.addi %iota3A, %add3A_450 : vector<16xi32>
      %gather3A_452 = tpu.vector_load_idx %arg15[%add3A_451, %broadcast_in_dim3A_442] : memref<32x128xf32, #tpu.memory_space<vmem>>[vector<16xi32>, vector<16xi32>], vector<16xf32>,
      %mul3A_453 = arith.mulf %gather3A_443, %gather3A_448 : vector<16xf32>
      %mul3A_454 = arith.mulf %gather3A_447, %gather3A_452 : vector<16xf32>
      %add3A_455 = arith.addf %mul3A_453, %mul3A_454 : vector<16xf32>
      %reduce_sum3A_456 = arith.constant true
      %reduce_sum3A_457 = vector.broadcast %reduce_sum3A_456 : i1 to vector<16xi1>
      %reduce_sum3A_458 = tpu.scan <sum>, %add3A_455 masked %reduce_sum3A_457 : vector<16xf32>, vector<16xi1> -> vector<16xf32>
      %reduce_sum3A_459 = vector.extract %reduce_sum3A_458[15] : f32 from vector<16xf32>
      %eq3A_460 = arith.constant 5 : i32
      %eq3A_461 = vector.broadcast %eq3A_460 : i32 to vector<16xi32>
      %eq3A_462 = arith.cmpi eq, %iota3A, %eq3A_461 : vector<16xi32>
      %broadcast_in_dim3A_463 = vector.broadcast %reduce_sum3A_459 : f32 to vector<16xf32>
      %select_n3A_464 = arith.select %eq3A_462, %broadcast_in_dim3A_463, %select_n3A_398 : vector<16xi1>, vector<16xf32>
      %slice3A_465 = vector.extract_strided_slice %get3A_11 {offsets = [9], sizes = [1], strides = [1]} : vector<16xi32> to vector<1xi32>
      %squeeze3A_466 = vector.extract %slice3A_465[0] : i32 from vector<1xi32>
      %shift_right_arithmetic3A_467 = arith.constant 7 : i32
      %shift_right_arithmetic3A_468 = arith.shrsi %squeeze3A_466, %shift_right_arithmetic3A_467 : i32
      %shift_left3A_469 = arith.constant 7 : i32
      %shift_left3A_470 = arith.shli %shift_right_arithmetic3A_468, %shift_left3A_469 : i32
      %multiple_of3A_471 = tpu.assume_multiple %shift_left3A_470, 128 : i32
      %slice3A_472 = vector.extract_strided_slice %get3A_13 {offsets = [9], sizes = [1], strides = [1]} : vector<16xi32> to vector<1xi32>
      %squeeze3A_473 = vector.extract %slice3A_472[0] : i32 from vector<1xi32>
      %shift_right_arithmetic3A_474 = arith.constant 7 : i32
      %shift_right_arithmetic3A_475 = arith.shrsi %squeeze3A_473, %shift_right_arithmetic3A_474 : i32
      %shift_left3A_476 = arith.constant 7 : i32
      %shift_left3A_477 = arith.shli %shift_right_arithmetic3A_475, %shift_left3A_476 : i32
      %multiple_of3A_478 = tpu.assume_multiple %shift_left3A_477, 128 : i32
      %dma_start3A_479 = arith.constant 0 : i32
      %dma_start3A_480 = tpu.memref_slice %arg4[%dma_start3A_479, %multiple_of3A_471] : memref<32x1000000xf32, #tpu.memory_space<hbm>> -> memref<32x128xf32, #tpu.memory_space<hbm>>
      %dma_start3A_481 = arith.constant 0 : i32
      %dma_start3A_482 = tpu.memref_slice %arg4[%dma_start3A_481, %multiple_of3A_471] : memref<32x1000000xf32, #tpu.memory_space<hbm>> -> memref<32x128xf32, #tpu.memory_space<hbm>>
      tpu.enqueue_dma source(%dma_start3A_482 : memref<32x128xf32, #tpu.memory_space<hbm>>) target(%arg11 : memref<32x128xf32, #tpu.memory_space<vmem>>) target_semaphore(%arg19 : memref<!tpu.dma_semaphore, #tpu.memory_space<semaphore_mem>>)
      %dma_start3A_483 = arith.constant 0 : i32
      %dma_start3A_484 = tpu.memref_slice %arg5[%dma_start3A_483, %multiple_of3A_478] : memref<32x1000000xf32, #tpu.memory_space<hbm>> -> memref<32x128xf32, #tpu.memory_space<hbm>>
      %dma_start3A_485 = arith.constant 0 : i32
      %dma_start3A_486 = tpu.memref_slice %arg5[%dma_start3A_485, %multiple_of3A_478] : memref<32x1000000xf32, #tpu.memory_space<hbm>> -> memref<32x128xf32, #tpu.memory_space<hbm>>
      tpu.enqueue_dma source(%dma_start3A_486 : memref<32x128xf32, #tpu.memory_space<hbm>>) target(%arg15 : memref<32x128xf32, #tpu.memory_space<vmem>>) target_semaphore(%arg23 : memref<!tpu.dma_semaphore, #tpu.memory_space<semaphore_mem>>)
      %dma_wait3A_487 = arith.constant 0 : i32
      %dma_wait3A_488 = arith.constant 0 : i32
      %dma_wait3A_489 = tpu.memref_slice %arg4[%dma_wait3A_487, %dma_wait3A_488] : memref<32x1000000xf32, #tpu.memory_space<hbm>> -> memref<32x128xf32, #tpu.memory_space<hbm>>
      %dma_wait3A_490 = arith.constant 0 : i32
      %dma_wait3A_491 = arith.constant 0 : i32
      %dma_wait3A_492 = tpu.memref_slice %arg4[%dma_wait3A_490, %dma_wait3A_491] : memref<32x1000000xf32, #tpu.memory_space<hbm>> -> memref<32x128xf32, #tpu.memory_space<hbm>>
      tpu.wait_dma2 semaphore(%arg20 : memref<!tpu.dma_semaphore, #tpu.memory_space<semaphore_mem>>) src(%dma_wait3A_492 : memref<32x128xf32, #tpu.memory_space<hbm>>) dst(%arg12 : memref<32x128xf32, #tpu.memory_space<vmem>>)
      %dma_wait3A_493 = arith.constant 0 : i32
      %dma_wait3A_494 = arith.constant 0 : i32
      %dma_wait3A_495 = tpu.memref_slice %arg5[%dma_wait3A_493, %dma_wait3A_494] : memref<32x1000000xf32, #tpu.memory_space<hbm>> -> memref<32x128xf32, #tpu.memory_space<hbm>>
      %dma_wait3A_496 = arith.constant 0 : i32
      %dma_wait3A_497 = arith.constant 0 : i32
      %dma_wait3A_498 = tpu.memref_slice %arg5[%dma_wait3A_496, %dma_wait3A_497] : memref<32x1000000xf32, #tpu.memory_space<hbm>> -> memref<32x128xf32, #tpu.memory_space<hbm>>
      tpu.wait_dma2 semaphore(%arg24 : memref<!tpu.dma_semaphore, #tpu.memory_space<semaphore_mem>>) src(%dma_wait3A_498 : memref<32x128xf32, #tpu.memory_space<hbm>>) dst(%arg16 : memref<32x128xf32, #tpu.memory_space<vmem>>)
      %slice3A_499 = vector.extract_strided_slice %get3A_11 {offsets = [6], sizes = [1], strides = [1]} : vector<16xi32> to vector<1xi32>
      %squeeze3A_500 = vector.extract %slice3A_499[0] : i32 from vector<1xi32>
      %and3A_501 = arith.constant 127 : i32
      %and3A_502 = arith.andi %squeeze3A_500, %and3A_501 : i32
      %broadcast_in_dim3A_503 = vector.broadcast %and3A_502 : i32 to vector<16xi32>
      %slice3A_504 = vector.extract_strided_slice %get3A_13 {offsets = [6], sizes = [1], strides = [1]} : vector<16xi32> to vector<1xi32>
      %squeeze3A_505 = vector.extract %slice3A_504[0] : i32 from vector<1xi32>
      %and3A_506 = arith.constant 127 : i32
      %and3A_507 = arith.andi %squeeze3A_505, %and3A_506 : i32
      %broadcast_in_dim3A_508 = vector.broadcast %and3A_507 : i32 to vector<16xi32>
      %gather3A_509 = tpu.vector_load_idx %arg12[%iota3A, %broadcast_in_dim3A_503] : memref<32x128xf32, #tpu.memory_space<vmem>>[vector<16xi32>, vector<16xi32>], vector<16xf32>,
      %add3A_510 = arith.constant 16 : i32
      %add3A_511 = vector.broadcast %add3A_510 : i32 to vector<16xi32>
      %add3A_512 = arith.addi %iota3A, %add3A_511 : vector<16xi32>
      %gather3A_513 = tpu.vector_load_idx %arg12[%add3A_512, %broadcast_in_dim3A_503] : memref<32x128xf32, #tpu.memory_space<vmem>>[vector<16xi32>, vector<16xi32>], vector<16xf32>,
      %gather3A_514 = tpu.vector_load_idx %arg16[%iota3A, %broadcast_in_dim3A_508] : memref<32x128xf32, #tpu.memory_space<vmem>>[vector<16xi32>, vector<16xi32>], vector<16xf32>,
      %add3A_515 = arith.constant 16 : i32
      %add3A_516 = vector.broadcast %add3A_515 : i32 to vector<16xi32>
      %add3A_517 = arith.addi %iota3A, %add3A_516 : vector<16xi32>
      %gather3A_518 = tpu.vector_load_idx %arg16[%add3A_517, %broadcast_in_dim3A_508] : memref<32x128xf32, #tpu.memory_space<vmem>>[vector<16xi32>, vector<16xi32>], vector<16xf32>,
      %mul3A_519 = arith.mulf %gather3A_509, %gather3A_514 : vector<16xf32>
      %mul3A_520 = arith.mulf %gather3A_513, %gather3A_518 : vector<16xf32>
      %add3A_521 = arith.addf %mul3A_519, %mul3A_520 : vector<16xf32>
      %reduce_sum3A_522 = arith.constant true
      %reduce_sum3A_523 = vector.broadcast %reduce_sum3A_522 : i1 to vector<16xi1>
      %reduce_sum3A_524 = tpu.scan <sum>, %add3A_521 masked %reduce_sum3A_523 : vector<16xf32>, vector<16xi1> -> vector<16xf32>
      %reduce_sum3A_525 = vector.extract %reduce_sum3A_524[15] : f32 from vector<16xf32>
      %eq3A_526 = arith.constant 6 : i32
      %eq3A_527 = vector.broadcast %eq3A_526 : i32 to vector<16xi32>
      %eq3A_528 = arith.cmpi eq, %iota3A, %eq3A_527 : vector<16xi32>
      %broadcast_in_dim3A_529 = vector.broadcast %reduce_sum3A_525 : f32 to vector<16xf32>
      %select_n3A_530 = arith.select %eq3A_528, %broadcast_in_dim3A_529, %select_n3A_464 : vector<16xi1>, vector<16xf32>
      %slice3A_531 = vector.extract_strided_slice %get3A_11 {offsets = [10], sizes = [1], strides = [1]} : vector<16xi32> to vector<1xi32>
      %squeeze3A_532 = vector.extract %slice3A_531[0] : i32 from vector<1xi32>
      %shift_right_arithmetic3A_533 = arith.constant 7 : i32
      %shift_right_arithmetic3A_534 = arith.shrsi %squeeze3A_532, %shift_right_arithmetic3A_533 : i32
      %shift_left3A_535 = arith.constant 7 : i32
      %shift_left3A_536 = arith.shli %shift_right_arithmetic3A_534, %shift_left3A_535 : i32
      %multiple_of3A_537 = tpu.assume_multiple %shift_left3A_536, 128 : i32
      %slice3A_538 = vector.extract_strided_slice %get3A_13 {offsets = [10], sizes = [1], strides = [1]} : vector<16xi32> to vector<1xi32>
      %squeeze3A_539 = vector.extract %slice3A_538[0] : i32 from vector<1xi32>
      %shift_right_arithmetic3A_540 = arith.constant 7 : i32
      %shift_right_arithmetic3A_541 = arith.shrsi %squeeze3A_539, %shift_right_arithmetic3A_540 : i32
      %shift_left3A_542 = arith.constant 7 : i32
      %shift_left3A_543 = arith.shli %shift_right_arithmetic3A_541, %shift_left3A_542 : i32
      %multiple_of3A_544 = tpu.assume_multiple %shift_left3A_543, 128 : i32
      %dma_start3A_545 = arith.constant 0 : i32
      %dma_start3A_546 = tpu.memref_slice %arg4[%dma_start3A_545, %multiple_of3A_537] : memref<32x1000000xf32, #tpu.memory_space<hbm>> -> memref<32x128xf32, #tpu.memory_space<hbm>>
      %dma_start3A_547 = arith.constant 0 : i32
      %dma_start3A_548 = tpu.memref_slice %arg4[%dma_start3A_547, %multiple_of3A_537] : memref<32x1000000xf32, #tpu.memory_space<hbm>> -> memref<32x128xf32, #tpu.memory_space<hbm>>
      tpu.enqueue_dma source(%dma_start3A_548 : memref<32x128xf32, #tpu.memory_space<hbm>>) target(%arg12 : memref<32x128xf32, #tpu.memory_space<vmem>>) target_semaphore(%arg20 : memref<!tpu.dma_semaphore, #tpu.memory_space<semaphore_mem>>)
      %dma_start3A_549 = arith.constant 0 : i32
      %dma_start3A_550 = tpu.memref_slice %arg5[%dma_start3A_549, %multiple_of3A_544] : memref<32x1000000xf32, #tpu.memory_space<hbm>> -> memref<32x128xf32, #tpu.memory_space<hbm>>
      %dma_start3A_551 = arith.constant 0 : i32
      %dma_start3A_552 = tpu.memref_slice %arg5[%dma_start3A_551, %multiple_of3A_544] : memref<32x1000000xf32, #tpu.memory_space<hbm>> -> memref<32x128xf32, #tpu.memory_space<hbm>>
      tpu.enqueue_dma source(%dma_start3A_552 : memref<32x128xf32, #tpu.memory_space<hbm>>) target(%arg16 : memref<32x128xf32, #tpu.memory_space<vmem>>) target_semaphore(%arg24 : memref<!tpu.dma_semaphore, #tpu.memory_space<semaphore_mem>>)
      %dma_wait3A_553 = arith.constant 0 : i32
      %dma_wait3A_554 = arith.constant 0 : i32
      %dma_wait3A_555 = tpu.memref_slice %arg4[%dma_wait3A_553, %dma_wait3A_554] : memref<32x1000000xf32, #tpu.memory_space<hbm>> -> memref<32x128xf32, #tpu.memory_space<hbm>>
      %dma_wait3A_556 = arith.constant 0 : i32
      %dma_wait3A_557 = arith.constant 0 : i32
      %dma_wait3A_558 = tpu.memref_slice %arg4[%dma_wait3A_556, %dma_wait3A_557] : memref<32x1000000xf32, #tpu.memory_space<hbm>> -> memref<32x128xf32, #tpu.memory_space<hbm>>
      tpu.wait_dma2 semaphore(%arg21 : memref<!tpu.dma_semaphore, #tpu.memory_space<semaphore_mem>>) src(%dma_wait3A_558 : memref<32x128xf32, #tpu.memory_space<hbm>>) dst(%arg13 : memref<32x128xf32, #tpu.memory_space<vmem>>)
      %dma_wait3A_559 = arith.constant 0 : i32
      %dma_wait3A_560 = arith.constant 0 : i32
      %dma_wait3A_561 = tpu.memref_slice %arg5[%dma_wait3A_559, %dma_wait3A_560] : memref<32x1000000xf32, #tpu.memory_space<hbm>> -> memref<32x128xf32, #tpu.memory_space<hbm>>
      %dma_wait3A_562 = arith.constant 0 : i32
      %dma_wait3A_563 = arith.constant 0 : i32
      %dma_wait3A_564 = tpu.memref_slice %arg5[%dma_wait3A_562, %dma_wait3A_563] : memref<32x1000000xf32, #tpu.memory_space<hbm>> -> memref<32x128xf32, #tpu.memory_space<hbm>>
      tpu.wait_dma2 semaphore(%arg25 : memref<!tpu.dma_semaphore, #tpu.memory_space<semaphore_mem>>) src(%dma_wait3A_564 : memref<32x128xf32, #tpu.memory_space<hbm>>) dst(%arg17 : memref<32x128xf32, #tpu.memory_space<vmem>>)
      %slice3A_565 = vector.extract_strided_slice %get3A_11 {offsets = [7], sizes = [1], strides = [1]} : vector<16xi32> to vector<1xi32>
      %squeeze3A_566 = vector.extract %slice3A_565[0] : i32 from vector<1xi32>
      %and3A_567 = arith.constant 127 : i32
      %and3A_568 = arith.andi %squeeze3A_566, %and3A_567 : i32
      %broadcast_in_dim3A_569 = vector.broadcast %and3A_568 : i32 to vector<16xi32>
      %slice3A_570 = vector.extract_strided_slice %get3A_13 {offsets = [7], sizes = [1], strides = [1]} : vector<16xi32> to vector<1xi32>
      %squeeze3A_571 = vector.extract %slice3A_570[0] : i32 from vector<1xi32>
      %and3A_572 = arith.constant 127 : i32
      %and3A_573 = arith.andi %squeeze3A_571, %and3A_572 : i32
      %broadcast_in_dim3A_574 = vector.broadcast %and3A_573 : i32 to vector<16xi32>
      %gather3A_575 = tpu.vector_load_idx %arg13[%iota3A, %broadcast_in_dim3A_569] : memref<32x128xf32, #tpu.memory_space<vmem>>[vector<16xi32>, vector<16xi32>], vector<16xf32>,
      %add3A_576 = arith.constant 16 : i32
      %add3A_577 = vector.broadcast %add3A_576 : i32 to vector<16xi32>
      %add3A_578 = arith.addi %iota3A, %add3A_577 : vector<16xi32>
      %gather3A_579 = tpu.vector_load_idx %arg13[%add3A_578, %broadcast_in_dim3A_569] : memref<32x128xf32, #tpu.memory_space<vmem>>[vector<16xi32>, vector<16xi32>], vector<16xf32>,
      %gather3A_580 = tpu.vector_load_idx %arg17[%iota3A, %broadcast_in_dim3A_574] : memref<32x128xf32, #tpu.memory_space<vmem>>[vector<16xi32>, vector<16xi32>], vector<16xf32>,
      %add3A_581 = arith.constant 16 : i32
      %add3A_582 = vector.broadcast %add3A_581 : i32 to vector<16xi32>
      %add3A_583 = arith.addi %iota3A, %add3A_582 : vector<16xi32>
      %gather3A_584 = tpu.vector_load_idx %arg17[%add3A_583, %broadcast_in_dim3A_574] : memref<32x128xf32, #tpu.memory_space<vmem>>[vector<16xi32>, vector<16xi32>], vector<16xf32>,
      %mul3A_585 = arith.mulf %gather3A_575, %gather3A_580 : vector<16xf32>
      %mul3A_586 = arith.mulf %gather3A_579, %gather3A_584 : vector<16xf32>
      %add3A_587 = arith.addf %mul3A_585, %mul3A_586 : vector<16xf32>
      %reduce_sum3A_588 = arith.constant true
      %reduce_sum3A_589 = vector.broadcast %reduce_sum3A_588 : i1 to vector<16xi1>
      %reduce_sum3A_590 = tpu.scan <sum>, %add3A_587 masked %reduce_sum3A_589 : vector<16xf32>, vector<16xi1> -> vector<16xf32>
      %reduce_sum3A_591 = vector.extract %reduce_sum3A_590[15] : f32 from vector<16xf32>
      %eq3A_592 = arith.constant 7 : i32
      %eq3A_593 = vector.broadcast %eq3A_592 : i32 to vector<16xi32>
      %eq3A_594 = arith.cmpi eq, %iota3A, %eq3A_593 : vector<16xi32>
      %broadcast_in_dim3A_595 = vector.broadcast %reduce_sum3A_591 : f32 to vector<16xf32>
      %select_n3A_596 = arith.select %eq3A_594, %broadcast_in_dim3A_595, %select_n3A_530 : vector<16xi1>, vector<16xf32>
      %slice3A_597 = vector.extract_strided_slice %get3A_11 {offsets = [11], sizes = [1], strides = [1]} : vector<16xi32> to vector<1xi32>
      %squeeze3A_598 = vector.extract %slice3A_597[0] : i32 from vector<1xi32>
      %shift_right_arithmetic3A_599 = arith.constant 7 : i32
      %shift_right_arithmetic3A_600 = arith.shrsi %squeeze3A_598, %shift_right_arithmetic3A_599 : i32
      %shift_left3A_601 = arith.constant 7 : i32
      %shift_left3A_602 = arith.shli %shift_right_arithmetic3A_600, %shift_left3A_601 : i32
      %multiple_of3A_603 = tpu.assume_multiple %shift_left3A_602, 128 : i32
      %slice3A_604 = vector.extract_strided_slice %get3A_13 {offsets = [11], sizes = [1], strides = [1]} : vector<16xi32> to vector<1xi32>
      %squeeze3A_605 = vector.extract %slice3A_604[0] : i32 from vector<1xi32>
      %shift_right_arithmetic3A_606 = arith.constant 7 : i32
      %shift_right_arithmetic3A_607 = arith.shrsi %squeeze3A_605, %shift_right_arithmetic3A_606 : i32
      %shift_left3A_608 = arith.constant 7 : i32
      %shift_left3A_609 = arith.shli %shift_right_arithmetic3A_607, %shift_left3A_608 : i32
      %multiple_of3A_610 = tpu.assume_multiple %shift_left3A_609, 128 : i32
      %dma_start3A_611 = arith.constant 0 : i32
      %dma_start3A_612 = tpu.memref_slice %arg4[%dma_start3A_611, %multiple_of3A_603] : memref<32x1000000xf32, #tpu.memory_space<hbm>> -> memref<32x128xf32, #tpu.memory_space<hbm>>
      %dma_start3A_613 = arith.constant 0 : i32
      %dma_start3A_614 = tpu.memref_slice %arg4[%dma_start3A_613, %multiple_of3A_603] : memref<32x1000000xf32, #tpu.memory_space<hbm>> -> memref<32x128xf32, #tpu.memory_space<hbm>>
      tpu.enqueue_dma source(%dma_start3A_614 : memref<32x128xf32, #tpu.memory_space<hbm>>) target(%arg13 : memref<32x128xf32, #tpu.memory_space<vmem>>) target_semaphore(%arg21 : memref<!tpu.dma_semaphore, #tpu.memory_space<semaphore_mem>>)
      %dma_start3A_615 = arith.constant 0 : i32
      %dma_start3A_616 = tpu.memref_slice %arg5[%dma_start3A_615, %multiple_of3A_610] : memref<32x1000000xf32, #tpu.memory_space<hbm>> -> memref<32x128xf32, #tpu.memory_space<hbm>>
      %dma_start3A_617 = arith.constant 0 : i32
      %dma_start3A_618 = tpu.memref_slice %arg5[%dma_start3A_617, %multiple_of3A_610] : memref<32x1000000xf32, #tpu.memory_space<hbm>> -> memref<32x128xf32, #tpu.memory_space<hbm>>
      tpu.enqueue_dma source(%dma_start3A_618 : memref<32x128xf32, #tpu.memory_space<hbm>>) target(%arg17 : memref<32x128xf32, #tpu.memory_space<vmem>>) target_semaphore(%arg25 : memref<!tpu.dma_semaphore, #tpu.memory_space<semaphore_mem>>)
      %dma_wait3A_619 = arith.constant 0 : i32
      %dma_wait3A_620 = arith.constant 0 : i32
      %dma_wait3A_621 = tpu.memref_slice %arg4[%dma_wait3A_619, %dma_wait3A_620] : memref<32x1000000xf32, #tpu.memory_space<hbm>> -> memref<32x128xf32, #tpu.memory_space<hbm>>
      %dma_wait3A_622 = arith.constant 0 : i32
      %dma_wait3A_623 = arith.constant 0 : i32
      %dma_wait3A_624 = tpu.memref_slice %arg4[%dma_wait3A_622, %dma_wait3A_623] : memref<32x1000000xf32, #tpu.memory_space<hbm>> -> memref<32x128xf32, #tpu.memory_space<hbm>>
      tpu.wait_dma2 semaphore(%arg18 : memref<!tpu.dma_semaphore, #tpu.memory_space<semaphore_mem>>) src(%dma_wait3A_624 : memref<32x128xf32, #tpu.memory_space<hbm>>) dst(%arg10 : memref<32x128xf32, #tpu.memory_space<vmem>>)
      %dma_wait3A_625 = arith.constant 0 : i32
      %dma_wait3A_626 = arith.constant 0 : i32
      %dma_wait3A_627 = tpu.memref_slice %arg5[%dma_wait3A_625, %dma_wait3A_626] : memref<32x1000000xf32, #tpu.memory_space<hbm>> -> memref<32x128xf32, #tpu.memory_space<hbm>>
      %dma_wait3A_628 = arith.constant 0 : i32
      %dma_wait3A_629 = arith.constant 0 : i32
      %dma_wait3A_630 = tpu.memref_slice %arg5[%dma_wait3A_628, %dma_wait3A_629] : memref<32x1000000xf32, #tpu.memory_space<hbm>> -> memref<32x128xf32, #tpu.memory_space<hbm>>
      tpu.wait_dma2 semaphore(%arg22 : memref<!tpu.dma_semaphore, #tpu.memory_space<semaphore_mem>>) src(%dma_wait3A_630 : memref<32x128xf32, #tpu.memory_space<hbm>>) dst(%arg14 : memref<32x128xf32, #tpu.memory_space<vmem>>)
      %slice3A_631 = vector.extract_strided_slice %get3A_11 {offsets = [8], sizes = [1], strides = [1]} : vector<16xi32> to vector<1xi32>
      %squeeze3A_632 = vector.extract %slice3A_631[0] : i32 from vector<1xi32>
      %and3A_633 = arith.constant 127 : i32
      %and3A_634 = arith.andi %squeeze3A_632, %and3A_633 : i32
      %broadcast_in_dim3A_635 = vector.broadcast %and3A_634 : i32 to vector<16xi32>
      %slice3A_636 = vector.extract_strided_slice %get3A_13 {offsets = [8], sizes = [1], strides = [1]} : vector<16xi32> to vector<1xi32>
      %squeeze3A_637 = vector.extract %slice3A_636[0] : i32 from vector<1xi32>
      %and3A_638 = arith.constant 127 : i32
      %and3A_639 = arith.andi %squeeze3A_637, %and3A_638 : i32
      %broadcast_in_dim3A_640 = vector.broadcast %and3A_639 : i32 to vector<16xi32>
      %gather3A_641 = tpu.vector_load_idx %arg10[%iota3A, %broadcast_in_dim3A_635] : memref<32x128xf32, #tpu.memory_space<vmem>>[vector<16xi32>, vector<16xi32>], vector<16xf32>,
      %add3A_642 = arith.constant 16 : i32
      %add3A_643 = vector.broadcast %add3A_642 : i32 to vector<16xi32>
      %add3A_644 = arith.addi %iota3A, %add3A_643 : vector<16xi32>
      %gather3A_645 = tpu.vector_load_idx %arg10[%add3A_644, %broadcast_in_dim3A_635] : memref<32x128xf32, #tpu.memory_space<vmem>>[vector<16xi32>, vector<16xi32>], vector<16xf32>,
      %gather3A_646 = tpu.vector_load_idx %arg14[%iota3A, %broadcast_in_dim3A_640] : memref<32x128xf32, #tpu.memory_space<vmem>>[vector<16xi32>, vector<16xi32>], vector<16xf32>,
      %add3A_647 = arith.constant 16 : i32
      %add3A_648 = vector.broadcast %add3A_647 : i32 to vector<16xi32>
      %add3A_649 = arith.addi %iota3A, %add3A_648 : vector<16xi32>
      %gather3A_650 = tpu.vector_load_idx %arg14[%add3A_649, %broadcast_in_dim3A_640] : memref<32x128xf32, #tpu.memory_space<vmem>>[vector<16xi32>, vector<16xi32>], vector<16xf32>,
      %mul3A_651 = arith.mulf %gather3A_641, %gather3A_646 : vector<16xf32>
      %mul3A_652 = arith.mulf %gather3A_645, %gather3A_650 : vector<16xf32>
      %add3A_653 = arith.addf %mul3A_651, %mul3A_652 : vector<16xf32>
      %reduce_sum3A_654 = arith.constant true
      %reduce_sum3A_655 = vector.broadcast %reduce_sum3A_654 : i1 to vector<16xi1>
      %reduce_sum3A_656 = tpu.scan <sum>, %add3A_653 masked %reduce_sum3A_655 : vector<16xf32>, vector<16xi1> -> vector<16xf32>
      %reduce_sum3A_657 = vector.extract %reduce_sum3A_656[15] : f32 from vector<16xf32>
      %eq3A_658 = arith.constant 8 : i32
      %eq3A_659 = vector.broadcast %eq3A_658 : i32 to vector<16xi32>
      %eq3A_660 = arith.cmpi eq, %iota3A, %eq3A_659 : vector<16xi32>
      %broadcast_in_dim3A_661 = vector.broadcast %reduce_sum3A_657 : f32 to vector<16xf32>
      %select_n3A_662 = arith.select %eq3A_660, %broadcast_in_dim3A_661, %select_n3A_596 : vector<16xi1>, vector<16xf32>
      %slice3A_663 = vector.extract_strided_slice %get3A_11 {offsets = [12], sizes = [1], strides = [1]} : vector<16xi32> to vector<1xi32>
      %squeeze3A_664 = vector.extract %slice3A_663[0] : i32 from vector<1xi32>
      %shift_right_arithmetic3A_665 = arith.constant 7 : i32
      %shift_right_arithmetic3A_666 = arith.shrsi %squeeze3A_664, %shift_right_arithmetic3A_665 : i32
      %shift_left3A_667 = arith.constant 7 : i32
      %shift_left3A_668 = arith.shli %shift_right_arithmetic3A_666, %shift_left3A_667 : i32
      %multiple_of3A_669 = tpu.assume_multiple %shift_left3A_668, 128 : i32
      %slice3A_670 = vector.extract_strided_slice %get3A_13 {offsets = [12], sizes = [1], strides = [1]} : vector<16xi32> to vector<1xi32>
      %squeeze3A_671 = vector.extract %slice3A_670[0] : i32 from vector<1xi32>
      %shift_right_arithmetic3A_672 = arith.constant 7 : i32
      %shift_right_arithmetic3A_673 = arith.shrsi %squeeze3A_671, %shift_right_arithmetic3A_672 : i32
      %shift_left3A_674 = arith.constant 7 : i32
      %shift_left3A_675 = arith.shli %shift_right_arithmetic3A_673, %shift_left3A_674 : i32
      %multiple_of3A_676 = tpu.assume_multiple %shift_left3A_675, 128 : i32
      %dma_start3A_677 = arith.constant 0 : i32
      %dma_start3A_678 = tpu.memref_slice %arg4[%dma_start3A_677, %multiple_of3A_669] : memref<32x1000000xf32, #tpu.memory_space<hbm>> -> memref<32x128xf32, #tpu.memory_space<hbm>>
      %dma_start3A_679 = arith.constant 0 : i32
      %dma_start3A_680 = tpu.memref_slice %arg4[%dma_start3A_679, %multiple_of3A_669] : memref<32x1000000xf32, #tpu.memory_space<hbm>> -> memref<32x128xf32, #tpu.memory_space<hbm>>
      tpu.enqueue_dma source(%dma_start3A_680 : memref<32x128xf32, #tpu.memory_space<hbm>>) target(%arg10 : memref<32x128xf32, #tpu.memory_space<vmem>>) target_semaphore(%arg18 : memref<!tpu.dma_semaphore, #tpu.memory_space<semaphore_mem>>)
      %dma_start3A_681 = arith.constant 0 : i32
      %dma_start3A_682 = tpu.memref_slice %arg5[%dma_start3A_681, %multiple_of3A_676] : memref<32x1000000xf32, #tpu.memory_space<hbm>> -> memref<32x128xf32, #tpu.memory_space<hbm>>
      %dma_start3A_683 = arith.constant 0 : i32
      %dma_start3A_684 = tpu.memref_slice %arg5[%dma_start3A_683, %multiple_of3A_676] : memref<32x1000000xf32, #tpu.memory_space<hbm>> -> memref<32x128xf32, #tpu.memory_space<hbm>>
      tpu.enqueue_dma source(%dma_start3A_684 : memref<32x128xf32, #tpu.memory_space<hbm>>) target(%arg14 : memref<32x128xf32, #tpu.memory_space<vmem>>) target_semaphore(%arg22 : memref<!tpu.dma_semaphore, #tpu.memory_space<semaphore_mem>>)
      %dma_wait3A_685 = arith.constant 0 : i32
      %dma_wait3A_686 = arith.constant 0 : i32
      %dma_wait3A_687 = tpu.memref_slice %arg4[%dma_wait3A_685, %dma_wait3A_686] : memref<32x1000000xf32, #tpu.memory_space<hbm>> -> memref<32x128xf32, #tpu.memory_space<hbm>>
      %dma_wait3A_688 = arith.constant 0 : i32
      %dma_wait3A_689 = arith.constant 0 : i32
      %dma_wait3A_690 = tpu.memref_slice %arg4[%dma_wait3A_688, %dma_wait3A_689] : memref<32x1000000xf32, #tpu.memory_space<hbm>> -> memref<32x128xf32, #tpu.memory_space<hbm>>
      tpu.wait_dma2 semaphore(%arg19 : memref<!tpu.dma_semaphore, #tpu.memory_space<semaphore_mem>>) src(%dma_wait3A_690 : memref<32x128xf32, #tpu.memory_space<hbm>>) dst(%arg11 : memref<32x128xf32, #tpu.memory_space<vmem>>)
      %dma_wait3A_691 = arith.constant 0 : i32
      %dma_wait3A_692 = arith.constant 0 : i32
      %dma_wait3A_693 = tpu.memref_slice %arg5[%dma_wait3A_691, %dma_wait3A_692] : memref<32x1000000xf32, #tpu.memory_space<hbm>> -> memref<32x128xf32, #tpu.memory_space<hbm>>
      %dma_wait3A_694 = arith.constant 0 : i32
      %dma_wait3A_695 = arith.constant 0 : i32
      %dma_wait3A_696 = tpu.memref_slice %arg5[%dma_wait3A_694, %dma_wait3A_695] : memref<32x1000000xf32, #tpu.memory_space<hbm>> -> memref<32x128xf32, #tpu.memory_space<hbm>>
      tpu.wait_dma2 semaphore(%arg23 : memref<!tpu.dma_semaphore, #tpu.memory_space<semaphore_mem>>) src(%dma_wait3A_696 : memref<32x128xf32, #tpu.memory_space<hbm>>) dst(%arg15 : memref<32x128xf32, #tpu.memory_space<vmem>>)
      %slice3A_697 = vector.extract_strided_slice %get3A_11 {offsets = [9], sizes = [1], strides = [1]} : vector<16xi32> to vector<1xi32>
      %squeeze3A_698 = vector.extract %slice3A_697[0] : i32 from vector<1xi32>
      %and3A_699 = arith.constant 127 : i32
      %and3A_700 = arith.andi %squeeze3A_698, %and3A_699 : i32
      %broadcast_in_dim3A_701 = vector.broadcast %and3A_700 : i32 to vector<16xi32>
      %slice3A_702 = vector.extract_strided_slice %get3A_13 {offsets = [9], sizes = [1], strides = [1]} : vector<16xi32> to vector<1xi32>
      %squeeze3A_703 = vector.extract %slice3A_702[0] : i32 from vector<1xi32>
      %and3A_704 = arith.constant 127 : i32
      %and3A_705 = arith.andi %squeeze3A_703, %and3A_704 : i32
      %broadcast_in_dim3A_706 = vector.broadcast %and3A_705 : i32 to vector<16xi32>
      %gather3A_707 = tpu.vector_load_idx %arg11[%iota3A, %broadcast_in_dim3A_701] : memref<32x128xf32, #tpu.memory_space<vmem>>[vector<16xi32>, vector<16xi32>], vector<16xf32>,
      %add3A_708 = arith.constant 16 : i32
      %add3A_709 = vector.broadcast %add3A_708 : i32 to vector<16xi32>
      %add3A_710 = arith.addi %iota3A, %add3A_709 : vector<16xi32>
      %gather3A_711 = tpu.vector_load_idx %arg11[%add3A_710, %broadcast_in_dim3A_701] : memref<32x128xf32, #tpu.memory_space<vmem>>[vector<16xi32>, vector<16xi32>], vector<16xf32>,
      %gather3A_712 = tpu.vector_load_idx %arg15[%iota3A, %broadcast_in_dim3A_706] : memref<32x128xf32, #tpu.memory_space<vmem>>[vector<16xi32>, vector<16xi32>], vector<16xf32>,
      %add3A_713 = arith.constant 16 : i32
      %add3A_714 = vector.broadcast %add3A_713 : i32 to vector<16xi32>
      %add3A_715 = arith.addi %iota3A, %add3A_714 : vector<16xi32>
      %gather3A_716 = tpu.vector_load_idx %arg15[%add3A_715, %broadcast_in_dim3A_706] : memref<32x128xf32, #tpu.memory_space<vmem>>[vector<16xi32>, vector<16xi32>], vector<16xf32>,
      %mul3A_717 = arith.mulf %gather3A_707, %gather3A_712 : vector<16xf32>
      %mul3A_718 = arith.mulf %gather3A_711, %gather3A_716 : vector<16xf32>
      %add3A_719 = arith.addf %mul3A_717, %mul3A_718 : vector<16xf32>
      %reduce_sum3A_720 = arith.constant true
      %reduce_sum3A_721 = vector.broadcast %reduce_sum3A_720 : i1 to vector<16xi1>
      %reduce_sum3A_722 = tpu.scan <sum>, %add3A_719 masked %reduce_sum3A_721 : vector<16xf32>, vector<16xi1> -> vector<16xf32>
      %reduce_sum3A_723 = vector.extract %reduce_sum3A_722[15] : f32 from vector<16xf32>
      %eq3A_724 = arith.constant 9 : i32
      %eq3A_725 = vector.broadcast %eq3A_724 : i32 to vector<16xi32>
      %eq3A_726 = arith.cmpi eq, %iota3A, %eq3A_725 : vector<16xi32>
      %broadcast_in_dim3A_727 = vector.broadcast %reduce_sum3A_723 : f32 to vector<16xf32>
      %select_n3A_728 = arith.select %eq3A_726, %broadcast_in_dim3A_727, %select_n3A_662 : vector<16xi1>, vector<16xf32>
      %slice3A_729 = vector.extract_strided_slice %get3A_11 {offsets = [13], sizes = [1], strides = [1]} : vector<16xi32> to vector<1xi32>
      %squeeze3A_730 = vector.extract %slice3A_729[0] : i32 from vector<1xi32>
      %shift_right_arithmetic3A_731 = arith.constant 7 : i32
      %shift_right_arithmetic3A_732 = arith.shrsi %squeeze3A_730, %shift_right_arithmetic3A_731 : i32
      %shift_left3A_733 = arith.constant 7 : i32
      %shift_left3A_734 = arith.shli %shift_right_arithmetic3A_732, %shift_left3A_733 : i32
      %multiple_of3A_735 = tpu.assume_multiple %shift_left3A_734, 128 : i32
      %slice3A_736 = vector.extract_strided_slice %get3A_13 {offsets = [13], sizes = [1], strides = [1]} : vector<16xi32> to vector<1xi32>
      %squeeze3A_737 = vector.extract %slice3A_736[0] : i32 from vector<1xi32>
      %shift_right_arithmetic3A_738 = arith.constant 7 : i32
      %shift_right_arithmetic3A_739 = arith.shrsi %squeeze3A_737, %shift_right_arithmetic3A_738 : i32
      %shift_left3A_740 = arith.constant 7 : i32
      %shift_left3A_741 = arith.shli %shift_right_arithmetic3A_739, %shift_left3A_740 : i32
      %multiple_of3A_742 = tpu.assume_multiple %shift_left3A_741, 128 : i32
      %dma_start3A_743 = arith.constant 0 : i32
      %dma_start3A_744 = tpu.memref_slice %arg4[%dma_start3A_743, %multiple_of3A_735] : memref<32x1000000xf32, #tpu.memory_space<hbm>> -> memref<32x128xf32, #tpu.memory_space<hbm>>
      %dma_start3A_745 = arith.constant 0 : i32
      %dma_start3A_746 = tpu.memref_slice %arg4[%dma_start3A_745, %multiple_of3A_735] : memref<32x1000000xf32, #tpu.memory_space<hbm>> -> memref<32x128xf32, #tpu.memory_space<hbm>>
      tpu.enqueue_dma source(%dma_start3A_746 : memref<32x128xf32, #tpu.memory_space<hbm>>) target(%arg11 : memref<32x128xf32, #tpu.memory_space<vmem>>) target_semaphore(%arg19 : memref<!tpu.dma_semaphore, #tpu.memory_space<semaphore_mem>>)
      %dma_start3A_747 = arith.constant 0 : i32
      %dma_start3A_748 = tpu.memref_slice %arg5[%dma_start3A_747, %multiple_of3A_742] : memref<32x1000000xf32, #tpu.memory_space<hbm>> -> memref<32x128xf32, #tpu.memory_space<hbm>>
      %dma_start3A_749 = arith.constant 0 : i32
      %dma_start3A_750 = tpu.memref_slice %arg5[%dma_start3A_749, %multiple_of3A_742] : memref<32x1000000xf32, #tpu.memory_space<hbm>> -> memref<32x128xf32, #tpu.memory_space<hbm>>
      tpu.enqueue_dma source(%dma_start3A_750 : memref<32x128xf32, #tpu.memory_space<hbm>>) target(%arg15 : memref<32x128xf32, #tpu.memory_space<vmem>>) target_semaphore(%arg23 : memref<!tpu.dma_semaphore, #tpu.memory_space<semaphore_mem>>)
      %dma_wait3A_751 = arith.constant 0 : i32
      %dma_wait3A_752 = arith.constant 0 : i32
      %dma_wait3A_753 = tpu.memref_slice %arg4[%dma_wait3A_751, %dma_wait3A_752] : memref<32x1000000xf32, #tpu.memory_space<hbm>> -> memref<32x128xf32, #tpu.memory_space<hbm>>
      %dma_wait3A_754 = arith.constant 0 : i32
      %dma_wait3A_755 = arith.constant 0 : i32
      %dma_wait3A_756 = tpu.memref_slice %arg4[%dma_wait3A_754, %dma_wait3A_755] : memref<32x1000000xf32, #tpu.memory_space<hbm>> -> memref<32x128xf32, #tpu.memory_space<hbm>>
      tpu.wait_dma2 semaphore(%arg20 : memref<!tpu.dma_semaphore, #tpu.memory_space<semaphore_mem>>) src(%dma_wait3A_756 : memref<32x128xf32, #tpu.memory_space<hbm>>) dst(%arg12 : memref<32x128xf32, #tpu.memory_space<vmem>>)
      %dma_wait3A_757 = arith.constant 0 : i32
      %dma_wait3A_758 = arith.constant 0 : i32
      %dma_wait3A_759 = tpu.memref_slice %arg5[%dma_wait3A_757, %dma_wait3A_758] : memref<32x1000000xf32, #tpu.memory_space<hbm>> -> memref<32x128xf32, #tpu.memory_space<hbm>>
      %dma_wait3A_760 = arith.constant 0 : i32
      %dma_wait3A_761 = arith.constant 0 : i32
      %dma_wait3A_762 = tpu.memref_slice %arg5[%dma_wait3A_760, %dma_wait3A_761] : memref<32x1000000xf32, #tpu.memory_space<hbm>> -> memref<32x128xf32, #tpu.memory_space<hbm>>
      tpu.wait_dma2 semaphore(%arg24 : memref<!tpu.dma_semaphore, #tpu.memory_space<semaphore_mem>>) src(%dma_wait3A_762 : memref<32x128xf32, #tpu.memory_space<hbm>>) dst(%arg16 : memref<32x128xf32, #tpu.memory_space<vmem>>)
      %slice3A_763 = vector.extract_strided_slice %get3A_11 {offsets = [10], sizes = [1], strides = [1]} : vector<16xi32> to vector<1xi32>
      %squeeze3A_764 = vector.extract %slice3A_763[0] : i32 from vector<1xi32>
      %and3A_765 = arith.constant 127 : i32
      %and3A_766 = arith.andi %squeeze3A_764, %and3A_765 : i32
      %broadcast_in_dim3A_767 = vector.broadcast %and3A_766 : i32 to vector<16xi32>
      %slice3A_768 = vector.extract_strided_slice %get3A_13 {offsets = [10], sizes = [1], strides = [1]} : vector<16xi32> to vector<1xi32>
      %squeeze3A_769 = vector.extract %slice3A_768[0] : i32 from vector<1xi32>
      %and3A_770 = arith.constant 127 : i32
      %and3A_771 = arith.andi %squeeze3A_769, %and3A_770 : i32
      %broadcast_in_dim3A_772 = vector.broadcast %and3A_771 : i32 to vector<16xi32>
      %gather3A_773 = tpu.vector_load_idx %arg12[%iota3A, %broadcast_in_dim3A_767] : memref<32x128xf32, #tpu.memory_space<vmem>>[vector<16xi32>, vector<16xi32>], vector<16xf32>,
      %add3A_774 = arith.constant 16 : i32
      %add3A_775 = vector.broadcast %add3A_774 : i32 to vector<16xi32>
      %add3A_776 = arith.addi %iota3A, %add3A_775 : vector<16xi32>
      %gather3A_777 = tpu.vector_load_idx %arg12[%add3A_776, %broadcast_in_dim3A_767] : memref<32x128xf32, #tpu.memory_space<vmem>>[vector<16xi32>, vector<16xi32>], vector<16xf32>,
      %gather3A_778 = tpu.vector_load_idx %arg16[%iota3A, %broadcast_in_dim3A_772] : memref<32x128xf32, #tpu.memory_space<vmem>>[vector<16xi32>, vector<16xi32>], vector<16xf32>,
      %add3A_779 = arith.constant 16 : i32
      %add3A_780 = vector.broadcast %add3A_779 : i32 to vector<16xi32>
      %add3A_781 = arith.addi %iota3A, %add3A_780 : vector<16xi32>
      %gather3A_782 = tpu.vector_load_idx %arg16[%add3A_781, %broadcast_in_dim3A_772] : memref<32x128xf32, #tpu.memory_space<vmem>>[vector<16xi32>, vector<16xi32>], vector<16xf32>,
      %mul3A_783 = arith.mulf %gather3A_773, %gather3A_778 : vector<16xf32>
      %mul3A_784 = arith.mulf %gather3A_777, %gather3A_782 : vector<16xf32>
      %add3A_785 = arith.addf %mul3A_783, %mul3A_784 : vector<16xf32>
      %reduce_sum3A_786 = arith.constant true
      %reduce_sum3A_787 = vector.broadcast %reduce_sum3A_786 : i1 to vector<16xi1>
      %reduce_sum3A_788 = tpu.scan <sum>, %add3A_785 masked %reduce_sum3A_787 : vector<16xf32>, vector<16xi1> -> vector<16xf32>
      %reduce_sum3A_789 = vector.extract %reduce_sum3A_788[15] : f32 from vector<16xf32>
      %eq3A_790 = arith.constant 10 : i32
      %eq3A_791 = vector.broadcast %eq3A_790 : i32 to vector<16xi32>
      %eq3A_792 = arith.cmpi eq, %iota3A, %eq3A_791 : vector<16xi32>
      %broadcast_in_dim3A_793 = vector.broadcast %reduce_sum3A_789 : f32 to vector<16xf32>
      %select_n3A_794 = arith.select %eq3A_792, %broadcast_in_dim3A_793, %select_n3A_728 : vector<16xi1>, vector<16xf32>
      %slice3A_795 = vector.extract_strided_slice %get3A_11 {offsets = [14], sizes = [1], strides = [1]} : vector<16xi32> to vector<1xi32>
      %squeeze3A_796 = vector.extract %slice3A_795[0] : i32 from vector<1xi32>
      %shift_right_arithmetic3A_797 = arith.constant 7 : i32
      %shift_right_arithmetic3A_798 = arith.shrsi %squeeze3A_796, %shift_right_arithmetic3A_797 : i32
      %shift_left3A_799 = arith.constant 7 : i32
      %shift_left3A_800 = arith.shli %shift_right_arithmetic3A_798, %shift_left3A_799 : i32
      %multiple_of3A_801 = tpu.assume_multiple %shift_left3A_800, 128 : i32
      %slice3A_802 = vector.extract_strided_slice %get3A_13 {offsets = [14], sizes = [1], strides = [1]} : vector<16xi32> to vector<1xi32>
      %squeeze3A_803 = vector.extract %slice3A_802[0] : i32 from vector<1xi32>
      %shift_right_arithmetic3A_804 = arith.constant 7 : i32
      %shift_right_arithmetic3A_805 = arith.shrsi %squeeze3A_803, %shift_right_arithmetic3A_804 : i32
      %shift_left3A_806 = arith.constant 7 : i32
      %shift_left3A_807 = arith.shli %shift_right_arithmetic3A_805, %shift_left3A_806 : i32
      %multiple_of3A_808 = tpu.assume_multiple %shift_left3A_807, 128 : i32
      %dma_start3A_809 = arith.constant 0 : i32
      %dma_start3A_810 = tpu.memref_slice %arg4[%dma_start3A_809, %multiple_of3A_801] : memref<32x1000000xf32, #tpu.memory_space<hbm>> -> memref<32x128xf32, #tpu.memory_space<hbm>>
      %dma_start3A_811 = arith.constant 0 : i32
      %dma_start3A_812 = tpu.memref_slice %arg4[%dma_start3A_811, %multiple_of3A_801] : memref<32x1000000xf32, #tpu.memory_space<hbm>> -> memref<32x128xf32, #tpu.memory_space<hbm>>
      tpu.enqueue_dma source(%dma_start3A_812 : memref<32x128xf32, #tpu.memory_space<hbm>>) target(%arg12 : memref<32x128xf32, #tpu.memory_space<vmem>>) target_semaphore(%arg20 : memref<!tpu.dma_semaphore, #tpu.memory_space<semaphore_mem>>)
      %dma_start3A_813 = arith.constant 0 : i32
      %dma_start3A_814 = tpu.memref_slice %arg5[%dma_start3A_813, %multiple_of3A_808] : memref<32x1000000xf32, #tpu.memory_space<hbm>> -> memref<32x128xf32, #tpu.memory_space<hbm>>
      %dma_start3A_815 = arith.constant 0 : i32
      %dma_start3A_816 = tpu.memref_slice %arg5[%dma_start3A_815, %multiple_of3A_808] : memref<32x1000000xf32, #tpu.memory_space<hbm>> -> memref<32x128xf32, #tpu.memory_space<hbm>>
      tpu.enqueue_dma source(%dma_start3A_816 : memref<32x128xf32, #tpu.memory_space<hbm>>) target(%arg16 : memref<32x128xf32, #tpu.memory_space<vmem>>) target_semaphore(%arg24 : memref<!tpu.dma_semaphore, #tpu.memory_space<semaphore_mem>>)
      %dma_wait3A_817 = arith.constant 0 : i32
      %dma_wait3A_818 = arith.constant 0 : i32
      %dma_wait3A_819 = tpu.memref_slice %arg4[%dma_wait3A_817, %dma_wait3A_818] : memref<32x1000000xf32, #tpu.memory_space<hbm>> -> memref<32x128xf32, #tpu.memory_space<hbm>>
      %dma_wait3A_820 = arith.constant 0 : i32
      %dma_wait3A_821 = arith.constant 0 : i32
      %dma_wait3A_822 = tpu.memref_slice %arg4[%dma_wait3A_820, %dma_wait3A_821] : memref<32x1000000xf32, #tpu.memory_space<hbm>> -> memref<32x128xf32, #tpu.memory_space<hbm>>
      tpu.wait_dma2 semaphore(%arg21 : memref<!tpu.dma_semaphore, #tpu.memory_space<semaphore_mem>>) src(%dma_wait3A_822 : memref<32x128xf32, #tpu.memory_space<hbm>>) dst(%arg13 : memref<32x128xf32, #tpu.memory_space<vmem>>)
      %dma_wait3A_823 = arith.constant 0 : i32
      %dma_wait3A_824 = arith.constant 0 : i32
      %dma_wait3A_825 = tpu.memref_slice %arg5[%dma_wait3A_823, %dma_wait3A_824] : memref<32x1000000xf32, #tpu.memory_space<hbm>> -> memref<32x128xf32, #tpu.memory_space<hbm>>
      %dma_wait3A_826 = arith.constant 0 : i32
      %dma_wait3A_827 = arith.constant 0 : i32
      %dma_wait3A_828 = tpu.memref_slice %arg5[%dma_wait3A_826, %dma_wait3A_827] : memref<32x1000000xf32, #tpu.memory_space<hbm>> -> memref<32x128xf32, #tpu.memory_space<hbm>>
      tpu.wait_dma2 semaphore(%arg25 : memref<!tpu.dma_semaphore, #tpu.memory_space<semaphore_mem>>) src(%dma_wait3A_828 : memref<32x128xf32, #tpu.memory_space<hbm>>) dst(%arg17 : memref<32x128xf32, #tpu.memory_space<vmem>>)
      %slice3A_829 = vector.extract_strided_slice %get3A_11 {offsets = [11], sizes = [1], strides = [1]} : vector<16xi32> to vector<1xi32>
      %squeeze3A_830 = vector.extract %slice3A_829[0] : i32 from vector<1xi32>
      %and3A_831 = arith.constant 127 : i32
      %and3A_832 = arith.andi %squeeze3A_830, %and3A_831 : i32
      %broadcast_in_dim3A_833 = vector.broadcast %and3A_832 : i32 to vector<16xi32>
      %slice3A_834 = vector.extract_strided_slice %get3A_13 {offsets = [11], sizes = [1], strides = [1]} : vector<16xi32> to vector<1xi32>
      %squeeze3A_835 = vector.extract %slice3A_834[0] : i32 from vector<1xi32>
      %and3A_836 = arith.constant 127 : i32
      %and3A_837 = arith.andi %squeeze3A_835, %and3A_836 : i32
      %broadcast_in_dim3A_838 = vector.broadcast %and3A_837 : i32 to vector<16xi32>
      %gather3A_839 = tpu.vector_load_idx %arg13[%iota3A, %broadcast_in_dim3A_833] : memref<32x128xf32, #tpu.memory_space<vmem>>[vector<16xi32>, vector<16xi32>], vector<16xf32>,
      %add3A_840 = arith.constant 16 : i32
      %add3A_841 = vector.broadcast %add3A_840 : i32 to vector<16xi32>
      %add3A_842 = arith.addi %iota3A, %add3A_841 : vector<16xi32>
      %gather3A_843 = tpu.vector_load_idx %arg13[%add3A_842, %broadcast_in_dim3A_833] : memref<32x128xf32, #tpu.memory_space<vmem>>[vector<16xi32>, vector<16xi32>], vector<16xf32>,
      %gather3A_844 = tpu.vector_load_idx %arg17[%iota3A, %broadcast_in_dim3A_838] : memref<32x128xf32, #tpu.memory_space<vmem>>[vector<16xi32>, vector<16xi32>], vector<16xf32>,
      %add3A_845 = arith.constant 16 : i32
      %add3A_846 = vector.broadcast %add3A_845 : i32 to vector<16xi32>
      %add3A_847 = arith.addi %iota3A, %add3A_846 : vector<16xi32>
      %gather3A_848 = tpu.vector_load_idx %arg17[%add3A_847, %broadcast_in_dim3A_838] : memref<32x128xf32, #tpu.memory_space<vmem>>[vector<16xi32>, vector<16xi32>], vector<16xf32>,
      %mul3A_849 = arith.mulf %gather3A_839, %gather3A_844 : vector<16xf32>
      %mul3A_850 = arith.mulf %gather3A_843, %gather3A_848 : vector<16xf32>
      %add3A_851 = arith.addf %mul3A_849, %mul3A_850 : vector<16xf32>
      %reduce_sum3A_852 = arith.constant true
      %reduce_sum3A_853 = vector.broadcast %reduce_sum3A_852 : i1 to vector<16xi1>
      %reduce_sum3A_854 = tpu.scan <sum>, %add3A_851 masked %reduce_sum3A_853 : vector<16xf32>, vector<16xi1> -> vector<16xf32>
      %reduce_sum3A_855 = vector.extract %reduce_sum3A_854[15] : f32 from vector<16xf32>
      %eq3A_856 = arith.constant 11 : i32
      %eq3A_857 = vector.broadcast %eq3A_856 : i32 to vector<16xi32>
      %eq3A_858 = arith.cmpi eq, %iota3A, %eq3A_857 : vector<16xi32>
      %broadcast_in_dim3A_859 = vector.broadcast %reduce_sum3A_855 : f32 to vector<16xf32>
      %select_n3A_860 = arith.select %eq3A_858, %broadcast_in_dim3A_859, %select_n3A_794 : vector<16xi1>, vector<16xf32>
      %slice3A_861 = vector.extract_strided_slice %get3A_11 {offsets = [15], sizes = [1], strides = [1]} : vector<16xi32> to vector<1xi32>
      %squeeze3A_862 = vector.extract %slice3A_861[0] : i32 from vector<1xi32>
      %shift_right_arithmetic3A_863 = arith.constant 7 : i32
      %shift_right_arithmetic3A_864 = arith.shrsi %squeeze3A_862, %shift_right_arithmetic3A_863 : i32
      %shift_left3A_865 = arith.constant 7 : i32
      %shift_left3A_866 = arith.shli %shift_right_arithmetic3A_864, %shift_left3A_865 : i32
      %multiple_of3A_867 = tpu.assume_multiple %shift_left3A_866, 128 : i32
      %slice3A_868 = vector.extract_strided_slice %get3A_13 {offsets = [15], sizes = [1], strides = [1]} : vector<16xi32> to vector<1xi32>
      %squeeze3A_869 = vector.extract %slice3A_868[0] : i32 from vector<1xi32>
      %shift_right_arithmetic3A_870 = arith.constant 7 : i32
      %shift_right_arithmetic3A_871 = arith.shrsi %squeeze3A_869, %shift_right_arithmetic3A_870 : i32
      %shift_left3A_872 = arith.constant 7 : i32
      %shift_left3A_873 = arith.shli %shift_right_arithmetic3A_871, %shift_left3A_872 : i32
      %multiple_of3A_874 = tpu.assume_multiple %shift_left3A_873, 128 : i32
      %dma_start3A_875 = arith.constant 0 : i32
      %dma_start3A_876 = tpu.memref_slice %arg4[%dma_start3A_875, %multiple_of3A_867] : memref<32x1000000xf32, #tpu.memory_space<hbm>> -> memref<32x128xf32, #tpu.memory_space<hbm>>
      %dma_start3A_877 = arith.constant 0 : i32
      %dma_start3A_878 = tpu.memref_slice %arg4[%dma_start3A_877, %multiple_of3A_867] : memref<32x1000000xf32, #tpu.memory_space<hbm>> -> memref<32x128xf32, #tpu.memory_space<hbm>>
      tpu.enqueue_dma source(%dma_start3A_878 : memref<32x128xf32, #tpu.memory_space<hbm>>) target(%arg13 : memref<32x128xf32, #tpu.memory_space<vmem>>) target_semaphore(%arg21 : memref<!tpu.dma_semaphore, #tpu.memory_space<semaphore_mem>>)
      %dma_start3A_879 = arith.constant 0 : i32
      %dma_start3A_880 = tpu.memref_slice %arg5[%dma_start3A_879, %multiple_of3A_874] : memref<32x1000000xf32, #tpu.memory_space<hbm>> -> memref<32x128xf32, #tpu.memory_space<hbm>>
      %dma_start3A_881 = arith.constant 0 : i32
      %dma_start3A_882 = tpu.memref_slice %arg5[%dma_start3A_881, %multiple_of3A_874] : memref<32x1000000xf32, #tpu.memory_space<hbm>> -> memref<32x128xf32, #tpu.memory_space<hbm>>
      tpu.enqueue_dma source(%dma_start3A_882 : memref<32x128xf32, #tpu.memory_space<hbm>>) target(%arg17 : memref<32x128xf32, #tpu.memory_space<vmem>>) target_semaphore(%arg25 : memref<!tpu.dma_semaphore, #tpu.memory_space<semaphore_mem>>)
      %dma_wait3A_883 = arith.constant 0 : i32
      %dma_wait3A_884 = arith.constant 0 : i32
      %dma_wait3A_885 = tpu.memref_slice %arg4[%dma_wait3A_883, %dma_wait3A_884] : memref<32x1000000xf32, #tpu.memory_space<hbm>> -> memref<32x128xf32, #tpu.memory_space<hbm>>
      %dma_wait3A_886 = arith.constant 0 : i32
      %dma_wait3A_887 = arith.constant 0 : i32
      %dma_wait3A_888 = tpu.memref_slice %arg4[%dma_wait3A_886, %dma_wait3A_887] : memref<32x1000000xf32, #tpu.memory_space<hbm>> -> memref<32x128xf32, #tpu.memory_space<hbm>>
      tpu.wait_dma2 semaphore(%arg18 : memref<!tpu.dma_semaphore, #tpu.memory_space<semaphore_mem>>) src(%dma_wait3A_888 : memref<32x128xf32, #tpu.memory_space<hbm>>) dst(%arg10 : memref<32x128xf32, #tpu.memory_space<vmem>>)
      %dma_wait3A_889 = arith.constant 0 : i32
      %dma_wait3A_890 = arith.constant 0 : i32
      %dma_wait3A_891 = tpu.memref_slice %arg5[%dma_wait3A_889, %dma_wait3A_890] : memref<32x1000000xf32, #tpu.memory_space<hbm>> -> memref<32x128xf32, #tpu.memory_space<hbm>>
      %dma_wait3A_892 = arith.constant 0 : i32
      %dma_wait3A_893 = arith.constant 0 : i32
      %dma_wait3A_894 = tpu.memref_slice %arg5[%dma_wait3A_892, %dma_wait3A_893] : memref<32x1000000xf32, #tpu.memory_space<hbm>> -> memref<32x128xf32, #tpu.memory_space<hbm>>
      tpu.wait_dma2 semaphore(%arg22 : memref<!tpu.dma_semaphore, #tpu.memory_space<semaphore_mem>>) src(%dma_wait3A_894 : memref<32x128xf32, #tpu.memory_space<hbm>>) dst(%arg14 : memref<32x128xf32, #tpu.memory_space<vmem>>)
      %slice3A_895 = vector.extract_strided_slice %get3A_11 {offsets = [12], sizes = [1], strides = [1]} : vector<16xi32> to vector<1xi32>
      %squeeze3A_896 = vector.extract %slice3A_895[0] : i32 from vector<1xi32>
      %and3A_897 = arith.constant 127 : i32
      %and3A_898 = arith.andi %squeeze3A_896, %and3A_897 : i32
      %broadcast_in_dim3A_899 = vector.broadcast %and3A_898 : i32 to vector<16xi32>
      %slice3A_900 = vector.extract_strided_slice %get3A_13 {offsets = [12], sizes = [1], strides = [1]} : vector<16xi32> to vector<1xi32>
      %squeeze3A_901 = vector.extract %slice3A_900[0] : i32 from vector<1xi32>
      %and3A_902 = arith.constant 127 : i32
      %and3A_903 = arith.andi %squeeze3A_901, %and3A_902 : i32
      %broadcast_in_dim3A_904 = vector.broadcast %and3A_903 : i32 to vector<16xi32>
      %gather3A_905 = tpu.vector_load_idx %arg10[%iota3A, %broadcast_in_dim3A_899] : memref<32x128xf32, #tpu.memory_space<vmem>>[vector<16xi32>, vector<16xi32>], vector<16xf32>,
      %add3A_906 = arith.constant 16 : i32
      %add3A_907 = vector.broadcast %add3A_906 : i32 to vector<16xi32>
      %add3A_908 = arith.addi %iota3A, %add3A_907 : vector<16xi32>
      %gather3A_909 = tpu.vector_load_idx %arg10[%add3A_908, %broadcast_in_dim3A_899] : memref<32x128xf32, #tpu.memory_space<vmem>>[vector<16xi32>, vector<16xi32>], vector<16xf32>,
      %gather3A_910 = tpu.vector_load_idx %arg14[%iota3A, %broadcast_in_dim3A_904] : memref<32x128xf32, #tpu.memory_space<vmem>>[vector<16xi32>, vector<16xi32>], vector<16xf32>,
      %add3A_911 = arith.constant 16 : i32
      %add3A_912 = vector.broadcast %add3A_911 : i32 to vector<16xi32>
      %add3A_913 = arith.addi %iota3A, %add3A_912 : vector<16xi32>
      %gather3A_914 = tpu.vector_load_idx %arg14[%add3A_913, %broadcast_in_dim3A_904] : memref<32x128xf32, #tpu.memory_space<vmem>>[vector<16xi32>, vector<16xi32>], vector<16xf32>,
      %mul3A_915 = arith.mulf %gather3A_905, %gather3A_910 : vector<16xf32>
      %mul3A_916 = arith.mulf %gather3A_909, %gather3A_914 : vector<16xf32>
      %add3A_917 = arith.addf %mul3A_915, %mul3A_916 : vector<16xf32>
      %reduce_sum3A_918 = arith.constant true
      %reduce_sum3A_919 = vector.broadcast %reduce_sum3A_918 : i1 to vector<16xi1>
      %reduce_sum3A_920 = tpu.scan <sum>, %add3A_917 masked %reduce_sum3A_919 : vector<16xf32>, vector<16xi1> -> vector<16xf32>
      %reduce_sum3A_921 = vector.extract %reduce_sum3A_920[15] : f32 from vector<16xf32>
      %eq3A_922 = arith.constant 12 : i32
      %eq3A_923 = vector.broadcast %eq3A_922 : i32 to vector<16xi32>
      %eq3A_924 = arith.cmpi eq, %iota3A, %eq3A_923 : vector<16xi32>
      %broadcast_in_dim3A_925 = vector.broadcast %reduce_sum3A_921 : f32 to vector<16xf32>
      %select_n3A_926 = arith.select %eq3A_924, %broadcast_in_dim3A_925, %select_n3A_860 : vector<16xi1>, vector<16xf32>
      %dma_wait3A_927 = arith.constant 0 : i32
      %dma_wait3A_928 = arith.constant 0 : i32
      %dma_wait3A_929 = tpu.memref_slice %arg4[%dma_wait3A_927, %dma_wait3A_928] : memref<32x1000000xf32, #tpu.memory_space<hbm>> -> memref<32x128xf32, #tpu.memory_space<hbm>>
      %dma_wait3A_930 = arith.constant 0 : i32
      %dma_wait3A_931 = arith.constant 0 : i32
      %dma_wait3A_932 = tpu.memref_slice %arg4[%dma_wait3A_930, %dma_wait3A_931] : memref<32x1000000xf32, #tpu.memory_space<hbm>> -> memref<32x128xf32, #tpu.memory_space<hbm>>
      tpu.wait_dma2 semaphore(%arg19 : memref<!tpu.dma_semaphore, #tpu.memory_space<semaphore_mem>>) src(%dma_wait3A_932 : memref<32x128xf32, #tpu.memory_space<hbm>>) dst(%arg11 : memref<32x128xf32, #tpu.memory_space<vmem>>)
      %dma_wait3A_933 = arith.constant 0 : i32
      %dma_wait3A_934 = arith.constant 0 : i32
      %dma_wait3A_935 = tpu.memref_slice %arg5[%dma_wait3A_933, %dma_wait3A_934] : memref<32x1000000xf32, #tpu.memory_space<hbm>> -> memref<32x128xf32, #tpu.memory_space<hbm>>
      %dma_wait3A_936 = arith.constant 0 : i32
      %dma_wait3A_937 = arith.constant 0 : i32
      %dma_wait3A_938 = tpu.memref_slice %arg5[%dma_wait3A_936, %dma_wait3A_937] : memref<32x1000000xf32, #tpu.memory_space<hbm>> -> memref<32x128xf32, #tpu.memory_space<hbm>>
      tpu.wait_dma2 semaphore(%arg23 : memref<!tpu.dma_semaphore, #tpu.memory_space<semaphore_mem>>) src(%dma_wait3A_938 : memref<32x128xf32, #tpu.memory_space<hbm>>) dst(%arg15 : memref<32x128xf32, #tpu.memory_space<vmem>>)
      %slice3A_939 = vector.extract_strided_slice %get3A_11 {offsets = [13], sizes = [1], strides = [1]} : vector<16xi32> to vector<1xi32>
      %squeeze3A_940 = vector.extract %slice3A_939[0] : i32 from vector<1xi32>
      %and3A_941 = arith.constant 127 : i32
      %and3A_942 = arith.andi %squeeze3A_940, %and3A_941 : i32
      %broadcast_in_dim3A_943 = vector.broadcast %and3A_942 : i32 to vector<16xi32>
      %slice3A_944 = vector.extract_strided_slice %get3A_13 {offsets = [13], sizes = [1], strides = [1]} : vector<16xi32> to vector<1xi32>
      %squeeze3A_945 = vector.extract %slice3A_944[0] : i32 from vector<1xi32>
      %and3A_946 = arith.constant 127 : i32
      %and3A_947 = arith.andi %squeeze3A_945, %and3A_946 : i32
      %broadcast_in_dim3A_948 = vector.broadcast %and3A_947 : i32 to vector<16xi32>
      %gather3A_949 = tpu.vector_load_idx %arg11[%iota3A, %broadcast_in_dim3A_943] : memref<32x128xf32, #tpu.memory_space<vmem>>[vector<16xi32>, vector<16xi32>], vector<16xf32>,
      %add3A_950 = arith.constant 16 : i32
      %add3A_951 = vector.broadcast %add3A_950 : i32 to vector<16xi32>
      %add3A_952 = arith.addi %iota3A, %add3A_951 : vector<16xi32>
      %gather3A_953 = tpu.vector_load_idx %arg11[%add3A_952, %broadcast_in_dim3A_943] : memref<32x128xf32, #tpu.memory_space<vmem>>[vector<16xi32>, vector<16xi32>], vector<16xf32>,
      %gather3A_954 = tpu.vector_load_idx %arg15[%iota3A, %broadcast_in_dim3A_948] : memref<32x128xf32, #tpu.memory_space<vmem>>[vector<16xi32>, vector<16xi32>], vector<16xf32>,
      %add3A_955 = arith.constant 16 : i32
      %add3A_956 = vector.broadcast %add3A_955 : i32 to vector<16xi32>
      %add3A_957 = arith.addi %iota3A, %add3A_956 : vector<16xi32>
      %gather3A_958 = tpu.vector_load_idx %arg15[%add3A_957, %broadcast_in_dim3A_948] : memref<32x128xf32, #tpu.memory_space<vmem>>[vector<16xi32>, vector<16xi32>], vector<16xf32>,
      %mul3A_959 = arith.mulf %gather3A_949, %gather3A_954 : vector<16xf32>
      %mul3A_960 = arith.mulf %gather3A_953, %gather3A_958 : vector<16xf32>
      %add3A_961 = arith.addf %mul3A_959, %mul3A_960 : vector<16xf32>
      %reduce_sum3A_962 = arith.constant true
      %reduce_sum3A_963 = vector.broadcast %reduce_sum3A_962 : i1 to vector<16xi1>
      %reduce_sum3A_964 = tpu.scan <sum>, %add3A_961 masked %reduce_sum3A_963 : vector<16xf32>, vector<16xi1> -> vector<16xf32>
      %reduce_sum3A_965 = vector.extract %reduce_sum3A_964[15] : f32 from vector<16xf32>
      %eq3A_966 = arith.constant 13 : i32
      %eq3A_967 = vector.broadcast %eq3A_966 : i32 to vector<16xi32>
      %eq3A_968 = arith.cmpi eq, %iota3A, %eq3A_967 : vector<16xi32>
      %broadcast_in_dim3A_969 = vector.broadcast %reduce_sum3A_965 : f32 to vector<16xf32>
      %select_n3A_970 = arith.select %eq3A_968, %broadcast_in_dim3A_969, %select_n3A_926 : vector<16xi1>, vector<16xf32>
      %dma_wait3A_971 = arith.constant 0 : i32
      %dma_wait3A_972 = arith.constant 0 : i32
      %dma_wait3A_973 = tpu.memref_slice %arg4[%dma_wait3A_971, %dma_wait3A_972] : memref<32x1000000xf32, #tpu.memory_space<hbm>> -> memref<32x128xf32, #tpu.memory_space<hbm>>
      %dma_wait3A_974 = arith.constant 0 : i32
      %dma_wait3A_975 = arith.constant 0 : i32
      %dma_wait3A_976 = tpu.memref_slice %arg4[%dma_wait3A_974, %dma_wait3A_975] : memref<32x1000000xf32, #tpu.memory_space<hbm>> -> memref<32x128xf32, #tpu.memory_space<hbm>>
      tpu.wait_dma2 semaphore(%arg20 : memref<!tpu.dma_semaphore, #tpu.memory_space<semaphore_mem>>) src(%dma_wait3A_976 : memref<32x128xf32, #tpu.memory_space<hbm>>) dst(%arg12 : memref<32x128xf32, #tpu.memory_space<vmem>>)
      %dma_wait3A_977 = arith.constant 0 : i32
      %dma_wait3A_978 = arith.constant 0 : i32
      %dma_wait3A_979 = tpu.memref_slice %arg5[%dma_wait3A_977, %dma_wait3A_978] : memref<32x1000000xf32, #tpu.memory_space<hbm>> -> memref<32x128xf32, #tpu.memory_space<hbm>>
      %dma_wait3A_980 = arith.constant 0 : i32
      %dma_wait3A_981 = arith.constant 0 : i32
      %dma_wait3A_982 = tpu.memref_slice %arg5[%dma_wait3A_980, %dma_wait3A_981] : memref<32x1000000xf32, #tpu.memory_space<hbm>> -> memref<32x128xf32, #tpu.memory_space<hbm>>
      tpu.wait_dma2 semaphore(%arg24 : memref<!tpu.dma_semaphore, #tpu.memory_space<semaphore_mem>>) src(%dma_wait3A_982 : memref<32x128xf32, #tpu.memory_space<hbm>>) dst(%arg16 : memref<32x128xf32, #tpu.memory_space<vmem>>)
      %slice3A_983 = vector.extract_strided_slice %get3A_11 {offsets = [14], sizes = [1], strides = [1]} : vector<16xi32> to vector<1xi32>
      %squeeze3A_984 = vector.extract %slice3A_983[0] : i32 from vector<1xi32>
      %and3A_985 = arith.constant 127 : i32
      %and3A_986 = arith.andi %squeeze3A_984, %and3A_985 : i32
      %broadcast_in_dim3A_987 = vector.broadcast %and3A_986 : i32 to vector<16xi32>
      %slice3A_988 = vector.extract_strided_slice %get3A_13 {offsets = [14], sizes = [1], strides = [1]} : vector<16xi32> to vector<1xi32>
      %squeeze3A_989 = vector.extract %slice3A_988[0] : i32 from vector<1xi32>
      %and3A_990 = arith.constant 127 : i32
      %and3A_991 = arith.andi %squeeze3A_989, %and3A_990 : i32
      %broadcast_in_dim3A_992 = vector.broadcast %and3A_991 : i32 to vector<16xi32>
      %gather3A_993 = tpu.vector_load_idx %arg12[%iota3A, %broadcast_in_dim3A_987] : memref<32x128xf32, #tpu.memory_space<vmem>>[vector<16xi32>, vector<16xi32>], vector<16xf32>,
      %add3A_994 = arith.constant 16 : i32
      %add3A_995 = vector.broadcast %add3A_994 : i32 to vector<16xi32>
      %add3A_996 = arith.addi %iota3A, %add3A_995 : vector<16xi32>
      %gather3A_997 = tpu.vector_load_idx %arg12[%add3A_996, %broadcast_in_dim3A_987] : memref<32x128xf32, #tpu.memory_space<vmem>>[vector<16xi32>, vector<16xi32>], vector<16xf32>,
      %gather3A_998 = tpu.vector_load_idx %arg16[%iota3A, %broadcast_in_dim3A_992] : memref<32x128xf32, #tpu.memory_space<vmem>>[vector<16xi32>, vector<16xi32>], vector<16xf32>,
      %add3A_999 = arith.constant 16 : i32
      %add3A_1000 = vector.broadcast %add3A_999 : i32 to vector<16xi32>
      %add3A_1001 = arith.addi %iota3A, %add3A_1000 : vector<16xi32>
      %gather3A_1002 = tpu.vector_load_idx %arg16[%add3A_1001, %broadcast_in_dim3A_992] : memref<32x128xf32, #tpu.memory_space<vmem>>[vector<16xi32>, vector<16xi32>], vector<16xf32>,
      %mul3A_1003 = arith.mulf %gather3A_993, %gather3A_998 : vector<16xf32>
      %mul3A_1004 = arith.mulf %gather3A_997, %gather3A_1002 : vector<16xf32>
      %add3A_1005 = arith.addf %mul3A_1003, %mul3A_1004 : vector<16xf32>
      %reduce_sum3A_1006 = arith.constant true
      %reduce_sum3A_1007 = vector.broadcast %reduce_sum3A_1006 : i1 to vector<16xi1>
      %reduce_sum3A_1008 = tpu.scan <sum>, %add3A_1005 masked %reduce_sum3A_1007 : vector<16xf32>, vector<16xi1> -> vector<16xf32>
      %reduce_sum3A_1009 = vector.extract %reduce_sum3A_1008[15] : f32 from vector<16xf32>
      %eq3A_1010 = arith.constant 14 : i32
      %eq3A_1011 = vector.broadcast %eq3A_1010 : i32 to vector<16xi32>
      %eq3A_1012 = arith.cmpi eq, %iota3A, %eq3A_1011 : vector<16xi32>
      %broadcast_in_dim3A_1013 = vector.broadcast %reduce_sum3A_1009 : f32 to vector<16xf32>
      %select_n3A_1014 = arith.select %eq3A_1012, %broadcast_in_dim3A_1013, %select_n3A_970 : vector<16xi1>, vector<16xf32>
      %dma_wait3A_1015 = arith.constant 0 : i32
      %dma_wait3A_1016 = arith.constant 0 : i32
      %dma_wait3A_1017 = tpu.memref_slice %arg4[%dma_wait3A_1015, %dma_wait3A_1016] : memref<32x1000000xf32, #tpu.memory_space<hbm>> -> memref<32x128xf32, #tpu.memory_space<hbm>>
      %dma_wait3A_1018 = arith.constant 0 : i32
      %dma_wait3A_1019 = arith.constant 0 : i32
      %dma_wait3A_1020 = tpu.memref_slice %arg4[%dma_wait3A_1018, %dma_wait3A_1019] : memref<32x1000000xf32, #tpu.memory_space<hbm>> -> memref<32x128xf32, #tpu.memory_space<hbm>>
      tpu.wait_dma2 semaphore(%arg21 : memref<!tpu.dma_semaphore, #tpu.memory_space<semaphore_mem>>) src(%dma_wait3A_1020 : memref<32x128xf32, #tpu.memory_space<hbm>>) dst(%arg13 : memref<32x128xf32, #tpu.memory_space<vmem>>)
      %dma_wait3A_1021 = arith.constant 0 : i32
      %dma_wait3A_1022 = arith.constant 0 : i32
      %dma_wait3A_1023 = tpu.memref_slice %arg5[%dma_wait3A_1021, %dma_wait3A_1022] : memref<32x1000000xf32, #tpu.memory_space<hbm>> -> memref<32x128xf32, #tpu.memory_space<hbm>>
      %dma_wait3A_1024 = arith.constant 0 : i32
      %dma_wait3A_1025 = arith.constant 0 : i32
      %dma_wait3A_1026 = tpu.memref_slice %arg5[%dma_wait3A_1024, %dma_wait3A_1025] : memref<32x1000000xf32, #tpu.memory_space<hbm>> -> memref<32x128xf32, #tpu.memory_space<hbm>>
      tpu.wait_dma2 semaphore(%arg25 : memref<!tpu.dma_semaphore, #tpu.memory_space<semaphore_mem>>) src(%dma_wait3A_1026 : memref<32x128xf32, #tpu.memory_space<hbm>>) dst(%arg17 : memref<32x128xf32, #tpu.memory_space<vmem>>)
      %slice3A_1027 = vector.extract_strided_slice %get3A_11 {offsets = [15], sizes = [1], strides = [1]} : vector<16xi32> to vector<1xi32>
      %squeeze3A_1028 = vector.extract %slice3A_1027[0] : i32 from vector<1xi32>
      %and3A_1029 = arith.constant 127 : i32
      %and3A_1030 = arith.andi %squeeze3A_1028, %and3A_1029 : i32
      %broadcast_in_dim3A_1031 = vector.broadcast %and3A_1030 : i32 to vector<16xi32>
      %slice3A_1032 = vector.extract_strided_slice %get3A_13 {offsets = [15], sizes = [1], strides = [1]} : vector<16xi32> to vector<1xi32>
      %squeeze3A_1033 = vector.extract %slice3A_1032[0] : i32 from vector<1xi32>
      %and3A_1034 = arith.constant 127 : i32
      %and3A_1035 = arith.andi %squeeze3A_1033, %and3A_1034 : i32
      %broadcast_in_dim3A_1036 = vector.broadcast %and3A_1035 : i32 to vector<16xi32>
      %gather3A_1037 = tpu.vector_load_idx %arg13[%iota3A, %broadcast_in_dim3A_1031] : memref<32x128xf32, #tpu.memory_space<vmem>>[vector<16xi32>, vector<16xi32>], vector<16xf32>,
      %add3A_1038 = arith.constant 16 : i32
      %add3A_1039 = vector.broadcast %add3A_1038 : i32 to vector<16xi32>
      %add3A_1040 = arith.addi %iota3A, %add3A_1039 : vector<16xi32>
      %gather3A_1041 = tpu.vector_load_idx %arg13[%add3A_1040, %broadcast_in_dim3A_1031] : memref<32x128xf32, #tpu.memory_space<vmem>>[vector<16xi32>, vector<16xi32>], vector<16xf32>,
      %gather3A_1042 = tpu.vector_load_idx %arg17[%iota3A, %broadcast_in_dim3A_1036] : memref<32x128xf32, #tpu.memory_space<vmem>>[vector<16xi32>, vector<16xi32>], vector<16xf32>,
      %add3A_1043 = arith.constant 16 : i32
      %add3A_1044 = vector.broadcast %add3A_1043 : i32 to vector<16xi32>
      %add3A_1045 = arith.addi %iota3A, %add3A_1044 : vector<16xi32>
      %gather3A_1046 = tpu.vector_load_idx %arg17[%add3A_1045, %broadcast_in_dim3A_1036] : memref<32x128xf32, #tpu.memory_space<vmem>>[vector<16xi32>, vector<16xi32>], vector<16xf32>,
      %mul3A_1047 = arith.mulf %gather3A_1037, %gather3A_1042 : vector<16xf32>
      %mul3A_1048 = arith.mulf %gather3A_1041, %gather3A_1046 : vector<16xf32>
      %add3A_1049 = arith.addf %mul3A_1047, %mul3A_1048 : vector<16xf32>
      %reduce_sum3A_1050 = arith.constant true
      %reduce_sum3A_1051 = vector.broadcast %reduce_sum3A_1050 : i1 to vector<16xi1>
      %reduce_sum3A_1052 = tpu.scan <sum>, %add3A_1049 masked %reduce_sum3A_1051 : vector<16xf32>, vector<16xi1> -> vector<16xf32>
      %reduce_sum3A_1053 = vector.extract %reduce_sum3A_1052[15] : f32 from vector<16xf32>
      %eq3A_1054 = arith.constant 15 : i32
      %eq3A_1055 = vector.broadcast %eq3A_1054 : i32 to vector<16xi32>
      %eq3A_1056 = arith.cmpi eq, %iota3A, %eq3A_1055 : vector<16xi32>
      %broadcast_in_dim3A_1057 = vector.broadcast %reduce_sum3A_1053 : f32 to vector<16xf32>
      %select_n3A_1058 = arith.select %eq3A_1056, %broadcast_in_dim3A_1057, %select_n3A_1014 : vector<16xi1>, vector<16xf32>
      %swap3A = arith.index_cast %mul3A_10 : i32 to index
      %swap3A_1059 = tpu.vector_load %arg9[%swap3A] {strides = array<i32>} : memref<512xf32, #tpu.memory_space<vmem>>, vector<16xf32>,
      tpu.vector_store %arg9[%swap3A], %select_n3A_1058 {strides = array<i32>} : memref<512xf32, #tpu.memory_space<vmem>>, vector<16xf32>,
    }
    %scan3A_7 = arith.constant 32 : i32
    "tpu.region"() ({
      %run_scoped3A = tpu.sem_alloc : memref<!tpu.dma_semaphore, #tpu.memory_space<semaphore_mem>>
      %dma_start3A = tpu.memref_slice %arg6[%mul3A_2] : memref<16384xf32, #tpu.memory_space<hbm>> -> memref<512xf32, #tpu.memory_space<hbm>>
      %dma_start3A_8 = tpu.memref_slice %arg6[%mul3A_2] : memref<16384xf32, #tpu.memory_space<hbm>> -> memref<512xf32, #tpu.memory_space<hbm>>
      tpu.enqueue_dma source(%arg9 : memref<512xf32, #tpu.memory_space<vmem>>) target(%dma_start3A_8 : memref<512xf32, #tpu.memory_space<hbm>>) target_semaphore(%run_scoped3A : memref<!tpu.dma_semaphore, #tpu.memory_space<semaphore_mem>>)
      %dma_wait3A = tpu.memref_slice %arg6[%mul3A_2] : memref<16384xf32, #tpu.memory_space<hbm>> -> memref<512xf32, #tpu.memory_space<hbm>>
      %dma_wait3A_9 = tpu.memref_slice %arg6[%mul3A_2] : memref<16384xf32, #tpu.memory_space<hbm>> -> memref<512xf32, #tpu.memory_space<hbm>>
      tpu.wait_dma2 semaphore(%run_scoped3A : memref<!tpu.dma_semaphore, #tpu.memory_space<semaphore_mem>>) src(%arg9 : memref<512xf32, #tpu.memory_space<vmem>>) dst(%dma_wait3A_9 : memref<512xf32, #tpu.memory_space<hbm>>)
      tpu.yield
    }) : () -> ()
    return
  }
}

</mosaic_0001>

<sc_bundles>
// kernel: kernel.3.cloned.1.call-start
scs
__scs_entry_jumppad:
0x0: {  	(pc) =	sbr.rel $0x88, $3  }
0x1: {  	(tag) =	ssettag $0x0;
	lr =	simm.s32 $0x1  }
0x2: {  	[smem:$0x3F9E] =	sst lr;
	_ =	strace $0xD0000000  }
0x3: {  	_ = 	snop  }
0x4: {  	_ = 	snop  }
0x5: {  	_ = 	snop  }
0x6: {  	_ = 	snop  }
0x7: {  	_ = 	snop  }
__scs_overlays_trampoline_lowered:
0x8: {  	[smem:$0x3FAD] =	sst s0  }
0x9: {  	[smem:$0x3FAE] =	sst s1  }
0xa: {  	[smem:$0x3FAF] =	sst s2  }
0xb: {  	[smem:$0x3FB0] =	sst s3  }
0xc: {  	[smem:$0x3FB1] =	sst s4  }
0xd: {  	[smem:$0x3FB2] =	sst s5  }
0xe: {  	[smem:$0x3FB3] =	sst s6  }
0xf: {  	[smem:$0x3FB4] =	sst s7  }
0x10: {  	[smem:$0x3FB5] =	sst s8  }
0x11: {  	[smem:$0x3FB6] =	sst s9;
	s0 =	simm.s32 @!p0 $0x0  }
0x12: {  	s1 =	sld [smem:$0x3F9C];
	s0 =	simm.s32 @p0 $0x1  }
0x13: {  	[smem:$0x3FB7] =	sst s0;
	s0 =	simm.s32 @!p1 $0x0  }
0x14: {  	s2 =	sld [smem:$0x3F9B];
	s0 =	simm.s32 @p1 $0x1  }
0x15: {  	[smem:$0x3FB8] =	sst s0;
	s0 =	simm.s32 @!p2 $0x0  }
0x16: {  	s3 =	sld [smem:$0x3FDB];
	s0 =	simm.s32 @p2 $0x1  }
0x17: {  	s4 =	simm.s32 $0x1BF5;
	[smem:$0x3FBA] =	sst s0  }
0x18: {  	s0 =	sld [smem:$0x3F9D];
	_ =	swait.ge [sflag:s4], $0x0  }
0x19: {  	s7 =	sld [smem:$0x3F9E]  }
0x1a: {  	s8 =	sadd.s32 $0xFFFFE003, lr  }
0x1b: {  	s9 =	sadd.s32 $0xFFFFFEF7, lr;
	s5 =	simm.s32 $0xFFFFFFFF;
	p2 =	slt.u32 s8, $0xFFFFF086  }
0x1c: {  	p1 =	slt.u32 s9, $0xF7A;
	s5 =	simm.s32 @!p2 $0x0  }
0x1d: {  	s5 =	simm.s32 @p1 $0x1;
	p0 =	seq.s32 s7, s2  }
0x1e: {  	s7 =	smul.u32 @!p0 $0xF7A, s2;
	p2 =	seq.s32 @!p0 s5, $0x0  }
0x1f: {  	s9 =	smul.u32 $0xF7A, s1;
	s8 =	simm.s32 @!p0 $0x1BF5;
	p2 =	por !p2, p0  }
0x20: {  	[sflag:s8] =	ssyncset.s32 @!p0 $0xFFFFF086;
	s6 =	sadd.s32 @!p0 s3, s7;
	s7 =	simm.s32 @!p0 $0x108  }
0x21: {  	s3 =	sadd.s32 s3, s9;
	s6 =	sadd.s32 @!p0 $0x88, s6;
	s7 =	simm.s32 @p2 $0x1082  }
0x22: {  	[simem:s7], [sflag:s8] =	dma.local @!p0 [hbm:s6], $0xF7A  }
0x23: {  	s9 =	sor.u32 $0xD0000000, s2;
	s6 =	simm.s32 $0x108;
	_ =	swait.ge @!p0 [sflag:s8], $0x0  }
0x24: {  	s3 =	sadd.s32 $0x88, s3;
	s6 =	simm.s32 @!p1 $0x1082;
	[sflag:s4] =	ssyncset.s32 $0xFFFFF086  }
0x25: {  	[simem:s6], [sflag:s4] =	dma.local [hbm:s3], $0xF7A  }
0x26: {  	[smem:$0x3F9E] =	sst s1;
	(tag) =	ssettag s2;
	_ =	strace s9  }
0x27: {  	s1 =	sld [smem:$0x3FAE]  }
0x28: {  	s2 =	sld [smem:$0x3FAF]  }
0x29: {  	s4 =	sld [smem:$0x3FB1]  }
0x2a: {  	p0 =	seq.s32 s5, $0x0;
	s5 =	sld [smem:$0x3FB2]  }
0x2b: {  	s6 =	sld [smem:$0x3FB3]  }
0x2c: {  	s7 =	sld [smem:$0x3FB4]  }
0x2d: {  	s3 =	simm.s32 $0x108;
	s8 =	sld [smem:$0x3FB5]  }
0x2e: {  	s3 =	simm.s32 @!p0 $0x1082;
	s9 =	sld [smem:$0x3FB6]  }
0x2f: {  	lr =	sadd.s32 s0, s3;
	s0 =	sld [smem:$0x3FAD]  }
0x30: {  	s3 =	sld [smem:$0x3FB0]  }
0x31: {  	[smem:$0x3FB9] =	sst s10  }
0x32: {  	s10 =	sld [smem:$0x3FB7];
	_ =	sdelay $0x3  }
0x33: {  	p0 =	seq.s32 s10, $0x1;
	s10 =	sld [smem:$0x3FB9];
	_ =	sdelay $0x3  }
0x34: {  	[smem:$0x3FB9] =	sst s10  }
0x35: {  	s10 =	sld [smem:$0x3FB8];
	_ =	sdelay $0x3  }
0x36: {  	p1 =	seq.s32 s10, $0x1;
	s10 =	sld [smem:$0x3FB9];
	_ =	sdelay $0x3  }
0x37: {  	[smem:$0x3FB9] =	sst s10  }
0x38: {  	s10 =	sld [smem:$0x3FBA]  }
0x39: {  	_ = 	snop;
	(pc) =	sbr.ind lr, $3  }
0x3a: {  	_ = 	snop  }
0x3b: {  	_ = 	snop  }
0x3c: {  	p2 =	seq.s32 s10, $0x1;
	s10 =	sld [smem:$0x3FB9]  }
0x3d: {  	_ =	shalt  }
0x3e: {  	_ =	shalt  }
0x3f: {  	_ =	shalt  }
0x40: {  	_ =	shalt  }
0x41: {  	_ =	shalt  }
0x42: {  	_ =	shalt  }
0x43: {  	_ =	shalt  }
0x44: {  	_ =	shalt  }
0x45: {  	_ =	shalt  }
0x46: {  	_ =	shalt  }
0x47: {  	_ =	shalt  }
0x48: {  	_ =	shalt  }
0x49: {  	_ =	shalt  }
0x4a: {  	_ =	shalt  }
0x4b: {  	_ =	shalt  }
0x4c: {  	_ =	shalt  }
0x4d: {  	_ =	shalt  }
0x4e: {  	_ =	shalt  }
0x4f: {  	_ =	shalt  }
0x50: {  	_ =	shalt  }
0x51: {  	_ =	shalt  }
0x52: {  	_ =	shalt  }
0x53: {  	_ =	shalt  }
0x54: {  	_ =	shalt  }
0x55: {  	_ =	shalt  }
0x56: {  	_ =	shalt  }
0x57: {  	_ =	shalt  }
0x58: {  	_ =	shalt  }
0x59: {  	_ =	shalt  }
0x5a: {  	_ =	shalt  }
0x5b: {  	_ =	shalt  }
0x5c: {  	_ =	shalt  }
0x5d: {  	_ =	shalt  }
0x5e: {  	_ =	shalt  }
0x5f: {  	_ =	shalt  }
0x60: {  	_ =	shalt  }
0x61: {  	_ =	shalt  }
0x62: {  	_ =	shalt  }
0x63: {  	_ =	shalt  }
0x64: {  	_ =	shalt  }
0x65: {  	_ =	shalt  }
0x66: {  	_ =	shalt  }
0x67: {  	_ =	shalt  }
0x68: {  	_ =	shalt  }
0x69: {  	_ =	shalt  }
0x6a: {  	_ =	shalt  }
0x6b: {  	_ =	shalt  }
0x6c: {  	_ =	shalt  }
0x6d: {  	_ =	shalt  }
0x6e: {  	_ =	shalt  }
0x6f: {  	_ =	shalt  }
0x70: {  	_ =	shalt  }
0x71: {  	_ =	shalt  }
0x72: {  	_ =	shalt  }
0x73: {  	_ =	shalt  }
0x74: {  	_ =	shalt  }
0x75: {  	_ =	shalt  }
0x76: {  	_ =	shalt  }
0x77: {  	_ =	shalt  }
0x78: {  	_ =	shalt  }
0x79: {  	_ =	shalt  }
0x7a: {  	_ =	shalt  }
0x7b: {  	_ =	shalt  }
0x7c: {  	_ =	shalt  }
0x7d: {  	_ =	shalt  }
0x7e: {  	_ =	shalt  }
0x7f: {  	_ =	shalt  }
0x80: {  	_ =	shalt  }
0x81: {  	_ =	shalt  }
0x82: {  	_ =	shalt  }
0x83: {  	_ =	shalt  }
0x84: {  	_ =	shalt  }
0x85: {  	_ =	shalt  }
0x86: {  	_ =	shalt  }
0x87: {  	_ =	shalt  }
.Lfunc_end0:
.L_simem_size_0:
called_computation_lowered:
.L_overlay_start_0:
0x88: {  	s2 =	sld [smem:$0x3FD9]  }
0x89: {  	s3 =	sld [smem:$0x3FFE];
	_ =	sdelay $0x1  }
0x8a: {  	s1 =	srdreg.scid  }
0x8b: {  	s0 =	sand.u32 $0x1, s1  }
0x8c: {  	s17 =	sshll.u32 s0, $0xA;
	s2 =	sadd.s32 s3, s2  }
0x8d: {  	s2 =	sadd.s32 s2, s17  }
0x8e: {  	[smem:$0x3FC5] =	sst s2  }
0x8f: {  	_ = 	snop  }
0x90: {  	s2 =	sld [smem:$0x3FC8]  }
0x91: {  	s18 =	sld [smem:$0x3FC7]  }
0x92: {  	s4 =	sld [smem:$0x3FD0];
	(tm) =	ssettm $0x1  }
0x93: {  	s5 =	sld [smem:$0x3FFB];
	_ =	sdelay $0x3  }
0x94: {  	_ =	strace s5  }
0x95: {  	s5 =	sld [smem:$0x3FFC];
	_ =	sdelay $0x3  }
0x96: {  	_ =	strace s5  }
0x97: {  	s5 =	sld [smem:$0x3FFD];
	_ =	sdelay $0x3  }
0x98: {  	_ =	strace s5  }
0x99: {  	_ =	strace $0x8FFFFFFF  }
0x9a: {  	s19 =	sld [smem:$0x3FDB];
	_ =	sdelay $0x1  }
0x9b: {  	s6 =	simm.s32 $_scs_section_size  }
0x9c: {  	s7 =	simm.s32 $_size__tile_overlayer_lowered;
	s8 =	simm.s32 $_tile_overlayer_lowered  }
0x9d: {  	s22 =	simm.s32 $0x1BFF;
	s21 =	sshll.u32 s8, $0x1;
	s5 =	sadd.s32 s6, s19  }
0x9e: {  	s9 =	simm.s32 $0x0;
	s20 =	sshll.u32 s7, $0x1;
	s7 =	sadd.s32 s21, s5  }
0x9f: {  	[timem:s9], [sflag:s22] =	dma.local [hbm:s7], s20  }
0xa0: {  	_ =	swait.ge [sflag:s22], s20  }
0xa1: {  	s6 =	ssub.s32 $0x0, s20;
	[sflag:s22] =	ssyncset.done $0x0  }
0xa2: {  	[sflag:s22] =	ssyncadd.s32 s6;
	_ =	sdelay $0x1  }
0xa3: {  	s23 =	simm.s32 $0x1B8B  }
0xa4: {  	_ =	swait.ge [sflag:s23], $0x1  }
0xa5: {  	[sflag:s23] =	ssyncset.done $0x0  }
0xa6: {  	s25 =	simm.s32 $0x1B8E;
	s24 =	sld [smem:$0x3FFE];
	[sflag:s23] =	ssyncadd.s32 $0xFFFFFFFF  }
0xa7: {  	s26 =	simm.s32 $execute0_lowered;
	[smem:$0x3FD2] =	sst s25  }
0xa8: {  	s7 =	sshll.u32 s26, $0x1;
	_ =	strace $0x80000046;
	[dreg:$0x1] =	wrdreg $0xFFFFFFFF  }
0xa9: {  	s28 =	simm.s32 $_size_execute0_lowered;
	s5 =	sadd.s32 s5, s7;
	[dreg:$0x0] =	wrdreg $0x0  }
0xaa: {  	s7 =	sshll.u32 s28, $0x1;
	[dreg:$0x2] =	wrdreg s5  }
0xab: {  	[dreg:$0x3] =	wrdreg s7  }
0xac: {  	[dreg:$0x4] =	wrdreg $0xC0  }
0xad: {  	_ =	task [dreg:s9], $0x5FFFF  }
0xae: {  	[dreg:$0x1] =	wrdreg $0xFFFFFFFF  }
0xaf: {  	[dreg:$0x0] =	wrdreg $0x60  }
0xb0: {  	[dreg:$0x2] =	wrdreg s24  }
0xb1: {  	[dreg:$0x3] =	wrdreg s2  }
0xb2: {  	[dreg:$0x4] =	wrdreg s18  }
0xb3: {  	[dreg:$0x5] =	wrdreg s4  }
0xb4: {  	[dreg:$0x6] =	wrdreg $0x9  }
0xb5: {  	_ =	task.clear_ibuf [dreg:s9], $0x7FFFF;
	_ =	strace $0x90000046  }
0xb6: {  	s29 =	simm.s32 $0x9;
	_ =	strace $0x80000048  }
0xb7: {  	_ =	swait.ge [sflag:s29], $0x1  }
0xb8: {  	[sflag:s29] =	ssyncadd.s32 $0xFFFFFFFF  }
0xb9: {  	_ =	strace $0x90000048  }
0xba: {  	_ =	sfence  }
0xbb: {  	s30 =	sld [smem:$0x0];
	_ =	sdelay $0x2  }
0xbc: {  	s31 =	sshll.u32 s1, $0xD;
	s1 =	sshrl.u32 s1, $0x2  }
0xbd: {  	s3 =	sand.u32 $0x4000, s31;
	s1 =	sadd.s32 s1, s30  }
0xbe: {  	s0 =	sor.u32 s3, s0;
	s1 =	sshll.u32 s1, $0x11  }
0xbf: {  	s0 =	sor.u32 s1, s0  }
0xc0: {  	s0 =	sadd.s32 $0x8F2B, s0  }
0xc1: {  	[sflag:s0] =	ssyncadd.remote.s32 $0x1  }
0xc2: {  	_ =	sfence.sel $0xFFFF  }
0xc3: {  	[dreg:$0x0] =	wrdreg $0xFFFFFFFF;
	(pc) =	sbr.abs _section_cstart, $3  }
0xc4: {  	[dreg:$0x1] =	wrdreg $0xFFFFFFFF  }
0xc5: {  	_ =	task.clear_ibuf [dreg:s9], $0x2FFFF;
	_ =	strace $0x9FFFFFFF  }
0xc6: {  	(tm) =	ssettm $0x7FFFFFFF  }
0xc7: {  	_ =	shalt  }
tec
execute0_lowered:
.L_overlay_start_1:
0x0: {  	(tag) =	ssettag $0x1  }
0x1: {  	s0 =	rddreg [dreg:$0x0]  }
0x2: {  	s2 =	rddreg [dreg:$0x1]  }
0x3: {  	s3 =	rddreg [dreg:$0x2];
	s1 =	srdreg.scid  }
0x4: {  	s4 =	rddreg [dreg:$0x3];
	s5 =	stileid.u32  }
0x5: {  	s7 =	simm.s32 $0x0;
	s11 =	simm.s32 $0x400;
	s12 =	simm.s32 $0x7A1400  }
0x6: {  	s13 =	simm.s32 $0x600;
	s14 =	simm.s32 $0x4600;
	s15 =	simm.s32 $0x1600  }
0x7: {  	s16 =	simm.s32 $0x5600;
	s17 =	simm.s32 $0x2600;
	s18 =	simm.s32 $0x6600  }
0x8: {  	s19 =	simm.s32 $0x3600;
	s20 =	simm.s32 $0x7600;
	s21 =	simm.s32 $0x1  }
0x9: {  	s22 =	simm.s32 $0x5;
	s23 =	simm.s32 $0x2;
	s24 =	simm.s32 $0x6  }
0xa: {  	s28 =	simm.s32 $0x4;
	s29 =	simm.s32 $0x8;
	s1 =	sand.u32 $0x1, s1  }
0xb: {  	s5 =	sshll.u32 s5, $0x7;
	[smem:$0x7FF] =	sst s7;
	s6 =	sshll.u32 s1, $0x6  }
0xc: {  	v0 =	vlaneseq.u32;
	vm0 =	vmmov $0x1;
	vm1 =	vmmov $0x3;
	s1 =	ssub.s32 $0x2, s1;
	_ =	strace $0x80000047;
	s5 =	sor.u32 s6, s5  }
0xd: {  	vm2 =	vmmov $0x7;
	vm3 =	vmmov $0xf;
	vm4 =	vmmov $0x1f;
	s25 =	sshrl.u32 s1, $0x1;
	s0 =	sadd.s32 s5, s0;
	s30 =	sadd.s32 s4, s5  }
0xe: {  	vm5 =	vmmov $0x3f;
	vm6 =	vmmov $0x7f;
	vm7 =	vmmov $0xff;
	s1 =	ssub.s32 s1, s25;
	s26 =	sadd.s32 $0xE00, s0;
	[dreg:$0x7] =	wrdreg s30  }
0xf: {  	vm8 =	vmmov $0x1ff;
	vm9 =	vmmov $0x3ff;
	v0 =	vmul.u32 $0x80, v0;
	s25 =	simm.s32 $0x3;
	s0 =	sadd.s32 $0x600, s0;
	[dreg:$0x5] =	wrdreg s26  }
0x10: {  	vm10 =	vmmov $0x7ff;
	vm11 =	vmmov $0xfff;
	vm12 =	vmmov $0x1fff;
	s4 =	simm.s32 $0x0;
	s31 =	smax.u32 s1, $0x1;
	[dreg:$0x6] =	wrdreg s0  }
0x11: {  	vm13 =	vmmov $0x3fff;
	vm14 =	vmmov $0x7fff;
	v1 =	vor.u32 $0x800, v0;
	s1 =	simm.s32 $0x9;
	[dreg:$0x8] =	wrdreg s31;
	s26 =	simm.s32 $0x7  }
.LBB2_1:
0x12: {  	[dreg:$0x9] =	wrdreg s4  }
0x13: {  	s0 =	rddreg [dreg:$0x5]  }
0x14: {  	[tilespmem:s7], [sflag:$0x9] =	stream.linear.gather [hbm4b:s0+s7], $0x200, $0x38;
	[tilespmem:$0x8600] =	vst v63  }
0x15: {  	_ =	swait.ge [sflag:s1], $0x200  }
0x16: {  	[sflag:s1] =	ssyncset.done $0x0  }
0x17: {  	s30 =	simm.s32 $0x200;
	s10 =	rddreg [dreg:$0x6];
	[sflag:s1] =	ssyncadd.s32 $0xFFFFFE00  }
0x18: {  	[tilespmem:s30], [sflag:$0x9] =	stream.linear.gather [hbm4b:s10+s7], $0x200, $0x38;
	[tilespmem:$0x8600] =	vst v63  }
0x19: {  	_ =	swait.ge [sflag:s1], $0x200  }
0x1a: {  	[sflag:s1] =	ssyncset.done $0x0  }
0x1b: {  	s31 =	simm.s32 $0x0;
	[sflag:s1] =	ssyncadd.s32 $0xFFFFFE00  }
.LBB2_2:
0x1c: {  	s0 =	sshra.s32 s31, $0x2  }
0x1d: {  	v4 =	vld [tilespmem:s0+$0x0];
	_ =	sdelay $0x1  }
0x1e: {  	v3 =	vld [tilespmem:s0+$0x200];
	_ =	sdelay $0x2  }
0x1f: {  	(v2sf) =	vpush v4, $0x0;
	_ =	sdelay $0x1  }
0x20: {  	(v2sf) =	vpush v3, $0x0;
	_ =	sdelay $0x1  }
0x21: {  	(v2sf) =	vpush v4, $0x1;
	_ =	sdelay $0x3  }
0x22: {  	(v2sf) =	vpush v3, $0x1;
	_ =	sdelay $0x1  }
0x23: {  	(v2sf) =	vpush v4, $0x2;
	_ =	sdelay $0x4  }
0x24: {  	s1 =	spop (v2sf);
	(v2sf) =	vpush v3, $0x2;
	_ =	sdelay $0x1  }
0x25: {  	s7 =	spop (v2sf);
	(v2sf) =	vpush v4, $0x3  }
0x26: {  	s4 =	sand.u32 $0xFFFFF80, s1  }
0x27: {  	s4 =	sadd.s32 s2, s4;
	s5 =	sand.u32 $0xFFFFF80, s7;
	s8 =	spop (v2sf)  }
0x28: {  	(v2sf) =	vpush v3, $0x3;
	[tilespmem:s13], [sflag:$0x1] =	stream.strided.gather [hbm4b:s4+s11], $0x1000, s12, s11, $0x38;
	[tilespmem:$0x8600] =	vst v63  }
0x29: {  	s4 =	sadd.s32 s3, s5;
	s6 =	sand.u32 $0xFFFFF80, s8  }
0x2a: {  	[tilespmem:s14], [sflag:$0x5] =	stream.strided.gather [hbm4b:s4+s11], $0x1000, s12, s11, $0x38;
	[tilespmem:$0x8600] =	vst v63  }
0x2b: {  	s10 =	spop (v2sf);
	s4 =	sadd.s32 s2, s6  }
0x2c: {  	[tilespmem:s15], [sflag:$0x2] =	stream.strided.gather [hbm4b:s4+s11], $0x1000, s12, s11, $0x38;
	[tilespmem:$0x8600] =	vst v63  }
0x2d: {  	s5 =	sand.u32 $0xFFFFF80, s10;
	s4 =	spop (v2sf)  }
0x2e: {  	s5 =	sadd.s32 s3, s5;
	s6 =	sand.u32 $0xFFFFF80, s4  }
0x2f: {  	[tilespmem:s16], [sflag:$0x6] =	stream.strided.gather [hbm4b:s5+s11], $0x1000, s12, s11, $0x38;
	[tilespmem:$0x8600] =	vst v63  }
0x30: {  	s6 =	sadd.s32 s2, s6  }
0x31: {  	[tilespmem:s17], [sflag:$0x3] =	stream.strided.gather [hbm4b:s6+s11], $0x1000, s12, s11, $0x38;
	[tilespmem:$0x8600] =	vst v63  }
0x32: {  	s5 =	spop (v2sf)  }
0x33: {  	s9 =	sand.u32 $0xFFFFF80, s5  }
0x34: {  	s6 =	sadd.s32 s3, s9;
	s9 =	spop (v2sf)  }
0x35: {  	[tilespmem:s18], [sflag:$0x7] =	stream.strided.gather [hbm4b:s6+s11], $0x1000, s12, s11, $0x38;
	[tilespmem:$0x8600] =	vst v63  }
0x36: {  	s30 =	sand.u32 $0xFFFFF80, s9  }
0x37: {  	s6 =	spop (v2sf);
	s30 =	sadd.s32 s2, s30  }
0x38: {  	[tilespmem:s19], [sflag:$0x4] =	stream.strided.gather [hbm4b:s30+s11], $0x1000, s12, s11, $0x38;
	[tilespmem:$0x8600] =	vst v63  }
0x39: {  	s30 =	sand.u32 $0xFFFFF80, s6  }
0x3a: {  	s30 =	sadd.s32 s3, s30  }
0x3b: {  	[tilespmem:s20], [sflag:$0x8] =	stream.strided.gather [hbm4b:s30+s11], $0x1000, s12, s11, $0x38;
	[tilespmem:$0x8600] =	vst v63  }
0x3c: {  	s1 =	sand.u32 $0x7F, s1;
	_ =	swait.ge [sflag:s21], $0x1000  }
0x3d: {  	v2 =	vor.u32 s1, v0;
	[sflag:s21] =	ssyncset.done $0x0  }
0x3e: {  	s7 =	sand.u32 $0x7F, s7;
	v5 =	vor.u32 s1, v1;
	[sflag:s21] =	ssyncadd.s32 $0xFFFFF000  }
0x3f: {  	v6 =	vor.u32 s7, v0;
	_ =	swait.ge [sflag:s22], $0x1000  }
0x40: {  	v7 =	vor.u32 s7, v1;
	[sflag:s22] =	ssyncset.done $0x0  }
0x41: {  	[sflag:s22] =	ssyncadd.s32 $0xFFFFF000  }
0x42: {  	v2 =	vld.idx.msk [tilespmem:v2+s13+$0x0], $0xffff  }
0x43: {  	(v2sf) =	vpush v4, $0x4;
	v5 =	vld.idx.msk [tilespmem:v5+s13+$0x0], $0xffff  }
0x44: {  	v6 =	vld.idx.msk [tilespmem:v6+s14+$0x0], $0xffff  }
0x45: {  	(v2sf) =	vpush v3, $0x4;
	v7 =	vld.idx.msk [tilespmem:v7+s14+$0x0], $0xffff;
	_ =	sdelay $0x4  }
0x46: {  	v2 =	vmul.f32 v6, v2;
	v5 =	vmul.f32 v7, v5;
	_ =	sdelay $0x1  }
0x47: {  	v2 =	vadd.f32 v5, v2;
	_ =	sdelay $0x1  }
0x48: {  	(xrf2) =	vadd.scan.msk.f32 $0xffff, v2;
	_ =	sdelay $0x3  }
0x49: {  	s7 =	spop (v2sf)  }
0x4a: {  	s30 =	sand.u32 $0xFFFFF80, s7  }
0x4b: {  	s1 =	spop (v2sf);
	s30 =	sadd.s32 s2, s30  }
0x4c: {  	[tilespmem:s13], [sflag:$0x1] =	stream.strided.gather [hbm4b:s30+s11], $0x1000, s12, s11, $0x38;
	[tilespmem:$0x8600] =	vst v63  }
0x4d: {  	s30 =	sand.u32 $0xFFFFF80, s1  }
0x4e: {  	s30 =	sadd.s32 s3, s30  }
0x4f: {  	[tilespmem:s14], [sflag:$0x5] =	stream.strided.gather [hbm4b:s30+s11], $0x1000, s12, s11, $0x38;
	v2, _, _ =	vpop (xrf2);
	[tilespmem:$0x8600] =	vst v63  }
0x50: {  	s8 =	sand.u32 $0x7F, s8;
	_ =	swait.ge [sflag:s23], $0x1000  }
0x51: {  	v51 =	vor.u32 s8, v0;
	[sflag:s23] =	ssyncset.done $0x0  }
0x52: {  	s10 =	sand.u32 $0x7F, s10;
	v52 =	vor.u32 s8, v1;
	[sflag:s23] =	ssyncadd.s32 $0xFFFFF000  }
0x53: {  	v53 =	vor.u32 s10, v0;
	_ =	swait.ge [sflag:s24], $0x1000  }
0x54: {  	v8 =	vor.u32 s10, v1;
	[sflag:s24] =	ssyncset.done $0x0  }
0x55: {  	[sflag:s24] =	ssyncadd.s32 $0xFFFFF000  }
0x56: {  	v5 =	vld.idx.msk [tilespmem:v51+s15+$0x0], $0xffff  }
0x57: {  	(v2sf) =	vpush v4, $0x5;
	v6 =	vld.idx.msk [tilespmem:v52+s15+$0x0], $0xffff  }
0x58: {  	v7 =	vld.idx.msk [tilespmem:v53+s16+$0x0], $0xffff  }
0x59: {  	(v2sf) =	vpush v3, $0x5;
	v8 =	vld.idx.msk [tilespmem:v8+s16+$0x0], $0xffff;
	_ =	sdelay $0x4  }
0x5a: {  	v5 =	vmul.f32 v7, v5;
	v6 =	vmul.f32 v8, v6;
	_ =	sdelay $0x1  }
0x5b: {  	v5 =	vadd.f32 v6, v5;
	_ =	sdelay $0x1  }
0x5c: {  	(xrf2) =	vadd.scan.msk.f32 $0xffff, v5;
	_ =	sdelay $0x3  }
0x5d: {  	s8 =	spop (v2sf)  }
0x5e: {  	s30 =	sand.u32 $0xFFFFF80, s8  }
0x5f: {  	s10 =	spop (v2sf);
	s30 =	sadd.s32 s2, s30  }
0x60: {  	[tilespmem:s15], [sflag:$0x2] =	stream.strided.gather [hbm4b:s30+s11], $0x1000, s12, s11, $0x38;
	[tilespmem:$0x8600] =	vst v63  }
0x61: {  	s30 =	sand.u32 $0xFFFFF80, s10  }
0x62: {  	s30 =	sadd.s32 s3, s30  }
0x63: {  	[tilespmem:s16], [sflag:$0x6] =	stream.strided.gather [hbm4b:s30+s11], $0x1000, s12, s11, $0x38;
	v5, _, _ =	vpop (xrf2);
	[tilespmem:$0x8600] =	vst v63  }
0x64: {  	s4 =	sand.u32 $0x7F, s4;
	_ =	swait.ge [sflag:s25], $0x1000  }
0x65: {  	v54 =	vor.u32 s4, v0;
	[sflag:s25] =	ssyncset.done $0x0  }
0x66: {  	v55 =	vor.u32 s4, v1;
	s5 =	sand.u32 $0x7F, s5;
	[sflag:s25] =	ssyncadd.s32 $0xFFFFF000  }
0x67: {  	v56 =	vor.u32 s5, v0;
	_ =	swait.ge [sflag:s26], $0x1000  }
0x68: {  	v9 =	vor.u32 s5, v1;
	[sflag:s26] =	ssyncset.done $0x0  }
0x69: {  	[sflag:s26] =	ssyncadd.s32 $0xFFFFF000  }
0x6a: {  	v6 =	vld.idx.msk [tilespmem:v54+s17+$0x0], $0xffff  }
0x6b: {  	(v2sf) =	vpush v4, $0x6;
	v7 =	vld.idx.msk [tilespmem:v55+s17+$0x0], $0xffff  }
0x6c: {  	v8 =	vld.idx.msk [tilespmem:v56+s18+$0x0], $0xffff  }
0x6d: {  	(v2sf) =	vpush v3, $0x6;
	v9 =	vld.idx.msk [tilespmem:v9+s18+$0x0], $0xffff;
	_ =	sdelay $0x4  }
0x6e: {  	v6 =	vmul.f32 v8, v6;
	v7 =	vmul.f32 v9, v7;
	_ =	sdelay $0x1  }
0x6f: {  	v6 =	vadd.f32 v7, v6;
	_ =	sdelay $0x1  }
0x70: {  	(xrf2) =	vadd.scan.msk.f32 $0xffff, v6;
	_ =	sdelay $0x3  }
0x71: {  	s4 =	spop (v2sf)  }
0x72: {  	s30 =	sand.u32 $0xFFFFF80, s4  }
0x73: {  	s5 =	spop (v2sf);
	s30 =	sadd.s32 s2, s30  }
0x74: {  	[tilespmem:s17], [sflag:$0x3] =	stream.strided.gather [hbm4b:s30+s11], $0x1000, s12, s11, $0x38;
	[tilespmem:$0x8600] =	vst v63  }
0x75: {  	s30 =	sand.u32 $0xFFFFF80, s5  }
0x76: {  	s30 =	sadd.s32 s3, s30  }
0x77: {  	[tilespmem:s18], [sflag:$0x7] =	stream.strided.gather [hbm4b:s30+s11], $0x1000, s12, s11, $0x38;
	v6, _, _ =	vpop (xrf2);
	[tilespmem:$0x8600] =	vst v63  }
0x78: {  	s9 =	sand.u32 $0x7F, s9;
	_ =	swait.ge [sflag:s28], $0x1000  }
0x79: {  	v57 =	vor.u32 s9, v0;
	[sflag:s28] =	ssyncset.done $0x0  }
0x7a: {  	v58 =	vor.u32 s9, v1;
	s6 =	sand.u32 $0x7F, s6;
	[sflag:s28] =	ssyncadd.s32 $0xFFFFF000  }
0x7b: {  	v59 =	vor.u32 s6, v0;
	_ =	swait.ge [sflag:s29], $0x1000  }
0x7c: {  	v10 =	vor.u32 s6, v1;
	[sflag:s29] =	ssyncset.done $0x0  }
0x7d: {  	[sflag:s29] =	ssyncadd.s32 $0xFFFFF000  }
0x7e: {  	v7 =	vld.idx.msk [tilespmem:v57+s19+$0x0], $0xffff  }
0x7f: {  	(v2sf) =	vpush v4, $0x7;
	v8 =	vld.idx.msk [tilespmem:v58+s19+$0x0], $0xffff  }
0x80: {  	v9 =	vld.idx.msk [tilespmem:v59+s20+$0x0], $0xffff  }
0x81: {  	(v2sf) =	vpush v3, $0x7;
	v10 =	vld.idx.msk [tilespmem:v10+s20+$0x0], $0xffff;
	_ =	sdelay $0x4  }
0x82: {  	v7 =	vmul.f32 v9, v7;
	v8 =	vmul.f32 v10, v8;
	_ =	sdelay $0x1  }
0x83: {  	v7 =	vadd.f32 v8, v7;
	_ =	sdelay $0x1  }
0x84: {  	(xrf2) =	vadd.scan.msk.f32 $0xffff, v7;
	_ =	sdelay $0x3  }
0x85: {  	s9 =	spop (v2sf)  }
0x86: {  	s30 =	sand.u32 $0xFFFFF80, s9  }
0x87: {  	s6 =	spop (v2sf);
	s30 =	sadd.s32 s2, s30  }
0x88: {  	[tilespmem:s19], [sflag:$0x4] =	stream.strided.gather [hbm4b:s30+s11], $0x1000, s12, s11, $0x38;
	[tilespmem:$0x8600] =	vst v63  }
0x89: {  	s30 =	sand.u32 $0xFFFFF80, s6  }
0x8a: {  	s30 =	sadd.s32 s3, s30  }
0x8b: {  	[tilespmem:s20], [sflag:$0x8] =	stream.strided.gather [hbm4b:s30+s11], $0x1000, s12, s11, $0x38;
	v7, _, _ =	vpop (xrf2);
	[tilespmem:$0x8600] =	vst v63  }
0x8c: {  	s7 =	sand.u32 $0x7F, s7;
	_ =	swait.ge [sflag:s21], $0x1000  }
0x8d: {  	v60 =	vor.u32 s7, v0;
	[sflag:s21] =	ssyncset.done $0x0  }
0x8e: {  	v61 =	vor.u32 s7, v1;
	s1 =	sand.u32 $0x7F, s1;
	[sflag:s21] =	ssyncadd.s32 $0xFFFFF000  }
0x8f: {  	v62 =	vor.u32 s1, v0;
	_ =	swait.ge [sflag:s22], $0x1000  }
0x90: {  	v11 =	vor.u32 s1, v1;
	[sflag:s22] =	ssyncset.done $0x0  }
0x91: {  	[sflag:s22] =	ssyncadd.s32 $0xFFFFF000  }
0x92: {  	v8 =	vld.idx.msk [tilespmem:v60+s13+$0x0], $0xffff  }
0x93: {  	(v2sf) =	vpush v4, $0x8;
	v9 =	vld.idx.msk [tilespmem:v61+s13+$0x0], $0xffff  }
0x94: {  	v10 =	vld.idx.msk [tilespmem:v62+s14+$0x0], $0xffff  }
0x95: {  	(v2sf) =	vpush v3, $0x8;
	v11 =	vld.idx.msk [tilespmem:v11+s14+$0x0], $0xffff;
	_ =	sdelay $0x4  }
0x96: {  	v8 =	vmul.f32 v10, v8;
	v9 =	vmul.f32 v11, v9;
	_ =	sdelay $0x1  }
0x97: {  	v8 =	vadd.f32 v9, v8;
	_ =	sdelay $0x1  }
0x98: {  	(xrf2) =	vadd.scan.msk.f32 $0xffff, v8;
	_ =	sdelay $0x3  }
0x99: {  	s7 =	spop (v2sf)  }
0x9a: {  	s30 =	sand.u32 $0xFFFFF80, s7  }
0x9b: {  	s1 =	spop (v2sf);
	s30 =	sadd.s32 s2, s30  }
0x9c: {  	[tilespmem:s13], [sflag:$0x1] =	stream.strided.gather [hbm4b:s30+s11], $0x1000, s12, s11, $0x38;
	[tilespmem:$0x8600] =	vst v63  }
0x9d: {  	s30 =	sand.u32 $0xFFFFF80, s1  }
0x9e: {  	s30 =	sadd.s32 s3, s30  }
0x9f: {  	[tilespmem:s14], [sflag:$0x5] =	stream.strided.gather [hbm4b:s30+s11], $0x1000, s12, s11, $0x38;
	v8, _, _ =	vpop (xrf2);
	[tilespmem:$0x8600] =	vst v63  }
0xa0: {  	s8 =	sand.u32 $0x7F, s8;
	_ =	swait.ge [sflag:s23], $0x1000  }
0xa1: {  	v63 =	vor.u32 s8, v0;
	[sflag:s23] =	ssyncset.done $0x0  }
0xa2: {  	v16 =	vor.u32 s8, v1;
	s10 =	sand.u32 $0x7F, s10;
	[sflag:s23] =	ssyncadd.s32 $0xFFFFF000  }
0xa3: {  	v17 =	vor.u32 s10, v0;
	_ =	swait.ge [sflag:s24], $0x1000  }
0xa4: {  	v12 =	vor.u32 s10, v1;
	[sflag:s24] =	ssyncset.done $0x0  }
0xa5: {  	[sflag:s24] =	ssyncadd.s32 $0xFFFFF000  }
0xa6: {  	v9 =	vld.idx.msk [tilespmem:v63+s15+$0x0], $0xffff  }
0xa7: {  	(v2sf) =	vpush v4, $0x9;
	v10 =	vld.idx.msk [tilespmem:v16+s15+$0x0], $0xffff  }
0xa8: {  	v11 =	vld.idx.msk [tilespmem:v17+s16+$0x0], $0xffff  }
0xa9: {  	(v2sf) =	vpush v3, $0x9;
	v12 =	vld.idx.msk [tilespmem:v12+s16+$0x0], $0xffff;
	_ =	sdelay $0x4  }
0xaa: {  	v9 =	vmul.f32 v11, v9;
	v10 =	vmul.f32 v12, v10;
	_ =	sdelay $0x1  }
0xab: {  	v9 =	vadd.f32 v10, v9;
	_ =	sdelay $0x1  }
0xac: {  	(xrf2) =	vadd.scan.msk.f32 $0xffff, v9;
	_ =	sdelay $0x3  }
0xad: {  	s8 =	spop (v2sf)  }
0xae: {  	s30 =	sand.u32 $0xFFFFF80, s8  }
0xaf: {  	s10 =	spop (v2sf);
	s30 =	sadd.s32 s2, s30  }
0xb0: {  	[tilespmem:s15], [sflag:$0x2] =	stream.strided.gather [hbm4b:s30+s11], $0x1000, s12, s11, $0x38;
	[tilespmem:$0x8600] =	vst v63  }
0xb1: {  	s30 =	sand.u32 $0xFFFFF80, s10  }
0xb2: {  	s30 =	sadd.s32 s3, s30  }
0xb3: {  	[tilespmem:s16], [sflag:$0x6] =	stream.strided.gather [hbm4b:s30+s11], $0x1000, s12, s11, $0x38;
	v9, _, _ =	vpop (xrf2);
	[tilespmem:$0x8600] =	vst v63  }
0xb4: {  	s4 =	sand.u32 $0x7F, s4;
	_ =	swait.ge [sflag:s25], $0x1000  }
0xb5: {  	v18 =	vor.u32 s4, v0;
	[sflag:s25] =	ssyncset.done $0x0  }
0xb6: {  	v19 =	vor.u32 s4, v1;
	s5 =	sand.u32 $0x7F, s5;
	[sflag:s25] =	ssyncadd.s32 $0xFFFFF000  }
0xb7: {  	v20 =	vor.u32 s5, v0;
	_ =	swait.ge [sflag:s26], $0x1000  }
0xb8: {  	v13 =	vor.u32 s5, v1;
	[sflag:s26] =	ssyncset.done $0x0  }
0xb9: {  	[sflag:s26] =	ssyncadd.s32 $0xFFFFF000  }
0xba: {  	v10 =	vld.idx.msk [tilespmem:v18+s17+$0x0], $0xffff  }
0xbb: {  	(v2sf) =	vpush v4, $0xA;
	v11 =	vld.idx.msk [tilespmem:v19+s17+$0x0], $0xffff  }
0xbc: {  	v12 =	vld.idx.msk [tilespmem:v20+s18+$0x0], $0xffff  }
0xbd: {  	(v2sf) =	vpush v3, $0xA;
	v13 =	vld.idx.msk [tilespmem:v13+s18+$0x0], $0xffff;
	_ =	sdelay $0x4  }
0xbe: {  	v10 =	vmul.f32 v12, v10;
	v11 =	vmul.f32 v13, v11;
	_ =	sdelay $0x1  }
0xbf: {  	v10 =	vadd.f32 v11, v10;
	_ =	sdelay $0x1  }
0xc0: {  	(xrf2) =	vadd.scan.msk.f32 $0xffff, v10;
	_ =	sdelay $0x3  }
0xc1: {  	s4 =	spop (v2sf)  }
0xc2: {  	s30 =	sand.u32 $0xFFFFF80, s4  }
0xc3: {  	s5 =	spop (v2sf);
	s30 =	sadd.s32 s2, s30  }
0xc4: {  	[tilespmem:s17], [sflag:$0x3] =	stream.strided.gather [hbm4b:s30+s11], $0x1000, s12, s11, $0x38;
	[tilespmem:$0x8600] =	vst v63  }
0xc5: {  	s30 =	sand.u32 $0xFFFFF80, s5  }
0xc6: {  	s30 =	sadd.s32 s3, s30  }
0xc7: {  	[tilespmem:s18], [sflag:$0x7] =	stream.strided.gather [hbm4b:s30+s11], $0x1000, s12, s11, $0x38;
	v10, _, _ =	vpop (xrf2);
	[tilespmem:$0x8600] =	vst v63  }
0xc8: {  	s9 =	sand.u32 $0x7F, s9;
	_ =	swait.ge [sflag:s28], $0x1000  }
0xc9: {  	v21 =	vor.u32 s9, v0;
	[sflag:s28] =	ssyncset.done $0x0  }
0xca: {  	v22 =	vor.u32 s9, v1;
	s6 =	sand.u32 $0x7F, s6;
	[sflag:s28] =	ssyncadd.s32 $0xFFFFF000  }
0xcb: {  	v23 =	vor.u32 s6, v0;
	_ =	swait.ge [sflag:s29], $0x1000  }
0xcc: {  	v14 =	vor.u32 s6, v1;
	[sflag:s29] =	ssyncset.done $0x0  }
0xcd: {  	[sflag:s29] =	ssyncadd.s32 $0xFFFFF000  }
0xce: {  	v11 =	vld.idx.msk [tilespmem:v21+s19+$0x0], $0xffff  }
0xcf: {  	(v2sf) =	vpush v4, $0xB;
	v12 =	vld.idx.msk [tilespmem:v22+s19+$0x0], $0xffff  }
0xd0: {  	v13 =	vld.idx.msk [tilespmem:v23+s20+$0x0], $0xffff  }
0xd1: {  	(v2sf) =	vpush v3, $0xB;
	v14 =	vld.idx.msk [tilespmem:v14+s20+$0x0], $0xffff;
	_ =	sdelay $0x4  }
0xd2: {  	v11 =	vmul.f32 v13, v11;
	v12 =	vmul.f32 v14, v12;
	_ =	sdelay $0x1  }
0xd3: {  	v11 =	vadd.f32 v12, v11;
	_ =	sdelay $0x1  }
0xd4: {  	(xrf2) =	vadd.scan.msk.f32 $0xffff, v11;
	_ =	sdelay $0x3  }
0xd5: {  	s9 =	spop (v2sf)  }
0xd6: {  	s30 =	sand.u32 $0xFFFFF80, s9  }
0xd7: {  	s6 =	spop (v2sf);
	s30 =	sadd.s32 s2, s30  }
0xd8: {  	[tilespmem:s19], [sflag:$0x4] =	stream.strided.gather [hbm4b:s30+s11], $0x1000, s12, s11, $0x38;
	[tilespmem:$0x8600] =	vst v63  }
0xd9: {  	s30 =	sand.u32 $0xFFFFF80, s6  }
0xda: {  	s30 =	sadd.s32 s3, s30  }
0xdb: {  	[tilespmem:s20], [sflag:$0x8] =	stream.strided.gather [hbm4b:s30+s11], $0x1000, s12, s11, $0x38;
	v11, _, _ =	vpop (xrf2);
	[tilespmem:$0x8600] =	vst v63  }
0xdc: {  	s7 =	sand.u32 $0x7F, s7;
	_ =	swait.ge [sflag:s21], $0x1000  }
0xdd: {  	v24 =	vor.u32 s7, v0;
	[sflag:s21] =	ssyncset.done $0x0  }
0xde: {  	v25 =	vor.u32 s7, v1;
	s1 =	sand.u32 $0x7F, s1;
	[sflag:s21] =	ssyncadd.s32 $0xFFFFF000  }
0xdf: {  	v26 =	vor.u32 s1, v0;
	_ =	swait.ge [sflag:s22], $0x1000  }
0xe0: {  	v15 =	vor.u32 s1, v1;
	[sflag:s22] =	ssyncset.done $0x0  }
0xe1: {  	[sflag:s22] =	ssyncadd.s32 $0xFFFFF000  }
0xe2: {  	v12 =	vld.idx.msk [tilespmem:v24+s13+$0x0], $0xffff  }
0xe3: {  	(v2sf) =	vpush v4, $0xC;
	v13 =	vld.idx.msk [tilespmem:v25+s13+$0x0], $0xffff  }
0xe4: {  	v14 =	vld.idx.msk [tilespmem:v26+s14+$0x0], $0xffff  }
0xe5: {  	(v2sf) =	vpush v3, $0xC;
	v15 =	vld.idx.msk [tilespmem:v15+s14+$0x0], $0xffff;
	_ =	sdelay $0x4  }
0xe6: {  	v12 =	vmul.f32 v14, v12;
	v13 =	vmul.f32 v15, v13;
	_ =	sdelay $0x1  }
0xe7: {  	v12 =	vadd.f32 v13, v12;
	_ =	sdelay $0x1  }
0xe8: {  	(xrf2) =	vadd.scan.msk.f32 $0xffff, v12;
	_ =	sdelay $0x3  }
0xe9: {  	s7 =	spop (v2sf)  }
0xea: {  	s30 =	sand.u32 $0xFFFFF80, s7  }
0xeb: {  	s1 =	spop (v2sf);
	s30 =	sadd.s32 s2, s30  }
0xec: {  	[tilespmem:s13], [sflag:$0x1] =	stream.strided.gather [hbm4b:s30+s11], $0x1000, s12, s11, $0x38;
	[tilespmem:$0x8600] =	vst v63  }
0xed: {  	s30 =	sand.u32 $0xFFFFF80, s1  }
0xee: {  	s30 =	sadd.s32 s3, s30  }
0xef: {  	[tilespmem:s14], [sflag:$0x5] =	stream.strided.gather [hbm4b:s30+s11], $0x1000, s12, s11, $0x38;
	v12, _, _ =	vpop (xrf2);
	[tilespmem:$0x8600] =	vst v63  }
0xf0: {  	s8 =	sand.u32 $0x7F, s8;
	_ =	swait.ge [sflag:s23], $0x1000  }
0xf1: {  	v27 =	vor.u32 s8, v0;
	[sflag:s23] =	ssyncset.done $0x0  }
0xf2: {  	v28 =	vor.u32 s8, v1;
	s10 =	sand.u32 $0x7F, s10;
	[sflag:s23] =	ssyncadd.s32 $0xFFFFF000  }
0xf3: {  	v29 =	vor.u32 s10, v0;
	_ =	swait.ge [sflag:s24], $0x1000  }
0xf4: {  	v16 =	vor.u32 s10, v1;
	[sflag:s24] =	ssyncset.done $0x0  }
0xf5: {  	[sflag:s24] =	ssyncadd.s32 $0xFFFFF000  }
0xf6: {  	v13 =	vld.idx.msk [tilespmem:v27+s15+$0x0], $0xffff  }
0xf7: {  	(v2sf) =	vpush v4, $0xD;
	v14 =	vld.idx.msk [tilespmem:v28+s15+$0x0], $0xffff  }
0xf8: {  	v15 =	vld.idx.msk [tilespmem:v29+s16+$0x0], $0xffff  }
0xf9: {  	(v2sf) =	vpush v3, $0xD;
	v16 =	vld.idx.msk [tilespmem:v16+s16+$0x0], $0xffff;
	_ =	sdelay $0x4  }
0xfa: {  	v13 =	vmul.f32 v15, v13;
	v14 =	vmul.f32 v16, v14;
	_ =	sdelay $0x1  }
0xfb: {  	v13 =	vadd.f32 v14, v13;
	_ =	sdelay $0x1  }
0xfc: {  	(xrf2) =	vadd.scan.msk.f32 $0xffff, v13;
	_ =	sdelay $0x3  }
0xfd: {  	s10 =	spop (v2sf)  }
0xfe: {  	s30 =	sand.u32 $0xFFFFF80, s10  }
0xff: {  	s8 =	spop (v2sf);
	s30 =	sadd.s32 s2, s30  }
0x100: {  	[tilespmem:s15], [sflag:$0x2] =	stream.strided.gather [hbm4b:s30+s11], $0x1000, s12, s11, $0x38;
	[tilespmem:$0x8600] =	vst v63  }
0x101: {  	s30 =	sand.u32 $0xFFFFF80, s8  }
0x102: {  	s30 =	sadd.s32 s3, s30  }
0x103: {  	[tilespmem:s16], [sflag:$0x6] =	stream.strided.gather [hbm4b:s30+s11], $0x1000, s12, s11, $0x38;
	v13, _, _ =	vpop (xrf2);
	[tilespmem:$0x8600] =	vst v63  }
0x104: {  	s4 =	sand.u32 $0x7F, s4;
	_ =	swait.ge [sflag:s25], $0x1000  }
0x105: {  	v30 =	vor.u32 s4, v0;
	[sflag:s25] =	ssyncset.done $0x0  }
0x106: {  	v31 =	vor.u32 s4, v1;
	s5 =	sand.u32 $0x7F, s5;
	[sflag:s25] =	ssyncadd.s32 $0xFFFFF000  }
0x107: {  	v32 =	vor.u32 s5, v0;
	_ =	swait.ge [sflag:s26], $0x1000  }
0x108: {  	v17 =	vor.u32 s5, v1;
	[sflag:s26] =	ssyncset.done $0x0  }
0x109: {  	[sflag:s26] =	ssyncadd.s32 $0xFFFFF000  }
0x10a: {  	v14 =	vld.idx.msk [tilespmem:v30+s17+$0x0], $0xffff  }
0x10b: {  	(v2sf) =	vpush v4, $0xE;
	v15 =	vld.idx.msk [tilespmem:v31+s17+$0x0], $0xffff  }
0x10c: {  	v16 =	vld.idx.msk [tilespmem:v32+s18+$0x0], $0xffff  }
0x10d: {  	(v2sf) =	vpush v3, $0xE;
	v17 =	vld.idx.msk [tilespmem:v17+s18+$0x0], $0xffff;
	_ =	sdelay $0x4  }
0x10e: {  	v14 =	vmul.f32 v16, v14;
	v15 =	vmul.f32 v17, v15;
	_ =	sdelay $0x1  }
0x10f: {  	v14 =	vadd.f32 v15, v14;
	_ =	sdelay $0x1  }
0x110: {  	(xrf2) =	vadd.scan.msk.f32 $0xffff, v14;
	_ =	sdelay $0x3  }
0x111: {  	s5 =	spop (v2sf)  }
0x112: {  	s30 =	sand.u32 $0xFFFFF80, s5  }
0x113: {  	s4 =	spop (v2sf);
	s30 =	sadd.s32 s2, s30  }
0x114: {  	[tilespmem:s17], [sflag:$0x3] =	stream.strided.gather [hbm4b:s30+s11], $0x1000, s12, s11, $0x38;
	[tilespmem:$0x8600] =	vst v63  }
0x115: {  	s30 =	sand.u32 $0xFFFFF80, s4  }
0x116: {  	s30 =	sadd.s32 s3, s30  }
0x117: {  	[tilespmem:s18], [sflag:$0x7] =	stream.strided.gather [hbm4b:s30+s11], $0x1000, s12, s11, $0x38;
	v14, _, _ =	vpop (xrf2);
	[tilespmem:$0x8600] =	vst v63  }
0x118: {  	s9 =	sand.u32 $0x7F, s9;
	_ =	swait.ge [sflag:s28], $0x1000  }
0x119: {  	v33 =	vor.u32 s9, v0;
	[sflag:s28] =	ssyncset.done $0x0  }
0x11a: {  	v34 =	vor.u32 s9, v1;
	s6 =	sand.u32 $0x7F, s6;
	[sflag:s28] =	ssyncadd.s32 $0xFFFFF000  }
0x11b: {  	v35 =	vor.u32 s6, v0;
	_ =	swait.ge [sflag:s29], $0x1000  }
0x11c: {  	v18 =	vor.u32 s6, v1;
	[sflag:s29] =	ssyncset.done $0x0  }
0x11d: {  	[sflag:s29] =	ssyncadd.s32 $0xFFFFF000  }
0x11e: {  	v15 =	vld.idx.msk [tilespmem:v33+s19+$0x0], $0xffff  }
0x11f: {  	(v2sf) =	vpush v4, $0xF;
	v16 =	vld.idx.msk [tilespmem:v34+s19+$0x0], $0xffff  }
0x120: {  	v36 =	vld.idx.msk [tilespmem:v35+s20+$0x0], $0xffff  }
0x121: {  	(v2sf) =	vpush v3, $0xF;
	v37 =	vld.idx.msk [tilespmem:v18+s20+$0x0], $0xffff;
	_ =	sdelay $0x4  }
0x122: {  	v3 =	vmul.f32 v36, v15;
	v38 =	vmul.f32 v37, v16;
	_ =	sdelay $0x1  }
0x123: {  	v3 =	vadd.f32 v38, v3;
	_ =	sdelay $0x1  }
0x124: {  	(xrf2) =	vadd.scan.msk.f32 $0xffff, v3;
	_ =	sdelay $0x3  }
0x125: {  	s6 =	spop (v2sf)  }
0x126: {  	s30 =	sand.u32 $0xFFFFF80, s6  }
0x127: {  	s9 =	spop (v2sf);
	s30 =	sadd.s32 s2, s30  }
0x128: {  	[tilespmem:s19], [sflag:$0x4] =	stream.strided.gather [hbm4b:s30+s11], $0x1000, s12, s11, $0x38;
	[tilespmem:$0x8600] =	vst v63  }
0x129: {  	s30 =	sand.u32 $0xFFFFF80, s9  }
0x12a: {  	s30 =	sadd.s32 s3, s30  }
0x12b: {  	[tilespmem:s20], [sflag:$0x8] =	stream.strided.gather [hbm4b:s30+s11], $0x1000, s12, s11, $0x38;
	v3, _, _ =	vpop (xrf2);
	[tilespmem:$0x8600] =	vst v63  }
0x12c: {  	s7 =	sand.u32 $0x7F, s7;
	_ =	swait.ge [sflag:s21], $0x1000  }
0x12d: {  	v39 =	vor.u32 s7, v0;
	[sflag:s21] =	ssyncset.done $0x0  }
0x12e: {  	v40 =	vor.u32 s7, v1;
	s1 =	sand.u32 $0x7F, s1;
	[sflag:s21] =	ssyncadd.s32 $0xFFFFF000  }
0x12f: {  	v41 =	vor.u32 s1, v0;
	_ =	swait.ge [sflag:s22], $0x1000  }
0x130: {  	v42 =	vor.u32 s1, v1;
	[sflag:s22] =	ssyncset.done $0x0  }
0x131: {  	[sflag:s22] =	ssyncadd.s32 $0xFFFFF000  }
0x132: {  	v4 =	vld.idx.msk [tilespmem:v39+s13+$0x0], $0xffff  }
0x133: {  	v15 =	vld.idx.msk [tilespmem:v40+s13+$0x0], $0xffff  }
0x134: {  	v16 =	vld.idx.msk [tilespmem:v41+s14+$0x0], $0xffff  }
0x135: {  	v17 =	vld.idx.msk [tilespmem:v42+s14+$0x0], $0xffff;
	_ =	sdelay $0x4  }
0x136: {  	v4 =	vmul.f32 v16, v4;
	v15 =	vmul.f32 v17, v15;
	_ =	sdelay $0x1  }
0x137: {  	v4 =	vadd.f32 v15, v4;
	_ =	sdelay $0x1  }
0x138: {  	(xrf2) =	vadd.scan.msk.f32 $0xffff, v4;
	_ =	sdelay $0x9  }
0x139: {  	v4, _, _ =	vpop (xrf2)  }
0x13a: {  	s10 =	sand.u32 $0x7F, s10;
	_ =	swait.ge [sflag:s23], $0x1000  }
0x13b: {  	v43 =	vor.u32 s10, v0;
	[sflag:s23] =	ssyncset.done $0x0  }
0x13c: {  	v44 =	vor.u32 s10, v1;
	s30 =	sand.u32 $0x7F, s8;
	[sflag:s23] =	ssyncadd.s32 $0xFFFFF000  }
0x13d: {  	v45 =	vor.u32 s30, v0;
	_ =	swait.ge [sflag:s24], $0x1000  }
0x13e: {  	v46 =	vor.u32 s30, v1;
	[sflag:s24] =	ssyncset.done $0x0  }
0x13f: {  	[sflag:s24] =	ssyncadd.s32 $0xFFFFF000  }
0x140: {  	v15 =	vld.idx.msk [tilespmem:v43+s15+$0x0], $0xffff  }
0x141: {  	v16 =	vld.idx.msk [tilespmem:v44+s15+$0x0], $0xffff  }
0x142: {  	v17 =	vld.idx.msk [tilespmem:v45+s16+$0x0], $0xffff  }
0x143: {  	v18 =	vld.idx.msk [tilespmem:v46+s16+$0x0], $0xffff;
	_ =	sdelay $0x4  }
0x144: {  	v15 =	vmul.f32 v17, v15;
	v16 =	vmul.f32 v18, v16;
	_ =	sdelay $0x1  }
0x145: {  	v15 =	vadd.f32 v16, v15;
	_ =	sdelay $0x1  }
0x146: {  	(xrf2) =	vadd.scan.msk.f32 $0xffff, v15;
	_ =	sdelay $0x9  }
0x147: {  	v15, _, _ =	vpop (xrf2)  }
0x148: {  	s7 =	sand.u32 $0x7F, s5;
	_ =	swait.ge [sflag:s25], $0x1000  }
0x149: {  	v47 =	vor.u32 s7, v0;
	[sflag:s25] =	ssyncset.done $0x0  }
0x14a: {  	v48 =	vor.u32 s7, v1;
	s8 =	sand.u32 $0x7F, s4;
	[sflag:s25] =	ssyncadd.s32 $0xFFFFF000  }
0x14b: {  	v49 =	vor.u32 s8, v0;
	_ =	swait.ge [sflag:s26], $0x1000  }
0x14c: {  	v19 =	vor.u32 s8, v1;
	[sflag:s26] =	ssyncset.done $0x0  }
0x14d: {  	[sflag:s26] =	ssyncadd.s32 $0xFFFFF000  }
0x14e: {  	v16 =	vld.idx.msk [tilespmem:v47+s17+$0x0], $0xffff  }
0x14f: {  	v17 =	vld.idx.msk [tilespmem:v48+s17+$0x0], $0xffff  }
0x150: {  	v18 =	vld.idx.msk [tilespmem:v49+s18+$0x0], $0xffff  }
0x151: {  	v19 =	vld.idx.msk [tilespmem:v19+s18+$0x0], $0xffff;
	_ =	sdelay $0x4  }
0x152: {  	v16 =	vmul.f32 v18, v16;
	v17 =	vmul.f32 v19, v17;
	_ =	sdelay $0x1  }
0x153: {  	v16 =	vadd.f32 v17, v16;
	_ =	sdelay $0x1  }
0x154: {  	(xrf2) =	vadd.scan.msk.f32 $0xffff, v16;
	_ =	sdelay $0x9  }
0x155: {  	v16, _, _ =	vpop (xrf2)  }
0x156: {  	s10 =	sand.u32 $0x7F, s6;
	_ =	swait.ge [sflag:s28], $0x1000  }
0x157: {  	v50 =	vor.u32 s10, v0;
	s30 =	sand.u32 $0x7F, s9;
	[sflag:s28] =	ssyncset.done $0x0  }
0x158: {  	v51 =	vor.u32 s30, v0;
	[sflag:s28] =	ssyncadd.s32 $0xFFFFF000  }
0x159: {  	v52 =	vor.u32 s10, v1;
	_ =	swait.ge [sflag:s29], $0x1000  }
0x15a: {  	v20 =	vor.u32 s30, v1;
	[sflag:s29] =	ssyncset.done $0x0  }
0x15b: {  	[sflag:s29] =	ssyncadd.s32 $0xFFFFF000  }
0x15c: {  	v17 =	vld.idx.msk [tilespmem:v50+s19+$0x0], $0xffff  }
0x15d: {  	v18 =	vld.idx.msk [tilespmem:v51+s20+$0x0], $0xffff  }
0x15e: {  	v19 =	vld.idx.msk [tilespmem:v52+s19+$0x0], $0xffff  }
0x15f: {  	v20 =	vld.idx.msk [tilespmem:v20+s20+$0x0], $0xffff;
	_ =	sdelay $0x2  }
0x160: {  	v2 =	vbroadcast v2, $0xF;
	v5 =	vbroadcast v5, $0xF  }
0x161: {  	v6 =	vbroadcast v6, $0xF;
	v54 =	vbroadcast v7, $0xF  }
0x162: {  	v2 =	vsel vm0, v2, v5;
	v17 =	vmul.f32 v18, v17;
	v53 =	vmul.f32 v20, v19  }
0x163: {  	v2 =	vsel vm1, v2, v6;
	v56 =	vbroadcast v8, $0xF  }
0x164: {  	v2 =	vsel vm2, v2, v54;
	v57 =	vbroadcast v9, $0xF;
	v55 =	vadd.f32 v53, v17  }
0x165: {  	v2 =	vsel vm3, v2, v56;
	v58 =	vbroadcast v10, $0xF  }
0x166: {  	v2 =	vsel vm4, v2, v57;
	v59 =	vbroadcast v11, $0xF;
	(xrf2) =	vadd.scan.msk.f32 $0xffff, v55  }
0x167: {  	v2 =	vsel vm5, v2, v58;
	v60 =	vbroadcast v12, $0xF  }
0x168: {  	v2 =	vsel vm6, v2, v59;
	v61 =	vbroadcast v13, $0xF  }
0x169: {  	v2 =	vsel vm7, v2, v60;
	v62 =	vbroadcast v14, $0xF  }
0x16a: {  	v2 =	vsel vm8, v2, v61;
	v3 =	vbroadcast v3, $0xF  }
0x16b: {  	v2 =	vsel vm9, v2, v62  }
0x16c: {  	v2 =	vsel vm10, v2, v3;
	v4 =	vbroadcast v4, $0xF;
	v3 =	vbroadcast v15, $0xF  }
0x16d: {  	p0 =	sne.s32 s31, $0x7C0  }
.Ltmp0:
0x16e: {  	v2 =	vsel vm11, v2, v4;
	v63 =	vbroadcast v16, $0xF;
	(pc) =	sbr.rel @p0 .LBB2_2-.Ltmp0, $4  }
0x16f: {  	v2 =	vsel vm12, v2, v3  }
0x170: {  	v2 =	vsel vm13, v2, v63;
	v3, _, _ =	vpop (xrf2)  }
0x171: {  	v2 =	vsel vm14, v2, v3  }
0x172: {  	s31 =	sadd.s32 $0x40, s31;
	[tilespmem:s0+$0x400] =	vst v2  }
0x173: {  	s7 =	simm.s32 $0x0;
	s0 =	rddreg [dreg:$0x7];
	s1 =	simm.s32 $0x9  }
0x174: {  	[hbm4b:s0+s7] =	stream.linear.scatter [tilespmem:s11], [sflag:$0x9], $0x200, $0x38;
	[tilespmem:$0x8600] =	vst v63  }
0x175: {  	_ =	swait.ge [sflag:s1], $0x200  }
0x176: {  	s4 =	rddreg [dreg:$0x9]  }
0x177: {  	s31 =	rddreg [dreg:$0x8];
	s4 =	sadd.s32 $0x1, s4  }
0x178: {  	p0 =	sne.s32 s4, s31  }
.Ltmp1:
0x179: {  	_ = 	snop;
	(pc) =	sbr.rel @p0 .LBB2_1-.Ltmp1, $3  }
0x17a: {  	_ =	sdelay $0x1  }
0x17b: {  	[sflag:s1] =	ssyncset.done $0x0  }
0x17c: {  	[sflag:s1] =	ssyncadd.s32 $0xFFFFFE00  }
0x17d: {  	_ =	sfence.sel $0x180000  }
0x17e: {  	[bflag:$0x0] =	sbarrier.arrive $0xFFFF  }
0x17f: {  	_ =	strace $0x90000047  }
0x180: {  	s0 =	stileid.u32;
	[bflag:$0x2] =	sbarrier.arrive $0xFFFF  }
0x181: {  	p0 =	sne.s32 s0, $0x0;
	s0 =	rddreg [dreg:$0x4]  }
0x182: {  	s0 =	sadd.s32 @!p0 $0x100000, s0  }
0x183: {  	[sflag:s0] =	ssyncadd.tile.s32 @!p0 $0x1;
	_ =	shalt  }
.Lfunc_end2:
_tile_overlayer_lowered:
.L_overlay_start_2:
0x184: {  	(tag) =	ssettag $0x2  }
0x185: {  	s0 =	rddreg [dreg:$0x0];
	s2 =	stileid.u32  }
0x186: {  	s1 =	rddreg [dreg:$0x1];
	p0 =	sne.s32 s2, $0x0  }
0x187: {  	s3 =	rddreg [dreg:$0x2];
	[bflag:$0x3] =	sbarrier.arrive $0xFFFF;
	s2 =	simm.s32 @!p0 $0x1C09  }
0x188: {  	[timem:s3], [sflag:s2] =	dma.local @!p0 [hbm:s0], s1  }
0x189: {  	s0 =	simm.s32 @!p0 $0x9  }
0x18a: {  	_ =	swait.ge @!p0 [sflag:s0], s1  }
0x18b: {  	s1 =	ssub.s32 @!p0 $0x0, s1;
	[sflag:s0] =	ssyncset.done @!p0 $0x0  }
0x18c: {  	[sflag:s0] =	ssyncadd.s32 @!p0 s1  }
0x18d: {  	[bflag:$0x3] =	sbarrier.arrive $0xFFFF  }
0x18e: {  	_ =	shalt  }

</sc_bundles>
